<compile_context>
chip_gen: v7x
topology: tpu7x:2x2x1
jax: 0.10.2.dev20260603
libtpu: 0.0.44.dev20260713+nightly
codegen_flags: <defaults>
</compile_context>

<pallas_src>
import functools

import jax
import jax.numpy as jnp
from jax import lax
from jax.experimental import pallas as pl
from jax.experimental.pallas import tpu as pltpu
from jax.experimental.pallas import tpu_sc as plsc

EMBED = 32
CHUNK = 128
TILE = 128


@functools.lru_cache(maxsize=None)
def _make_detile(N, D):
    info = plsc.get_sparse_core_info()
    NC, NS = info.num_cores, info.num_subcores
    NW = NC * NS
    L = 16
    GRP = 6
    W = GRP * TILE
    n_full = N // TILE
    tail = N - n_full * TILE
    n_sc = n_full // GRP
    assert n_sc * GRP == n_full
    base_cnt = n_sc // NW
    extra = n_sc - base_cnt * NW
    mesh = plsc.VectorSubcoreMesh(core_axis_name="c", subcore_axis_name="s")

    @functools.partial(
        pl.kernel,
        mesh=mesh,
        out_type=[
            jax.ShapeDtypeStruct((N * D,), jnp.float32),
            jax.ShapeDtypeStruct((N * D,), jnp.float32),
        ],
        scratch_types=[
            pltpu.VMEM((D, W), jnp.float32),
            pltpu.VMEM((D, W), jnp.float32),
            pltpu.VMEM((W * D,), jnp.float32),
            pltpu.VMEM((W * D,), jnp.float32),
            pltpu.SemaphoreType.DMA,
            pltpu.SemaphoreType.DMA,
            pltpu.SemaphoreType.DMA,
            pltpu.SemaphoreType.DMA,
        ],
        compiler_params=pltpu.CompilerParams(needs_layout_passes=False),
    )
    def detile_k(utabT, itabT, utail, itail, uout, iout,
                 st0, st1, ob0, ob1, ls0, ls1, ws0, ws1):
        wid = lax.axis_index("s") * NC + lax.axis_index("c")
        count = base_cnt + jnp.minimum(jnp.maximum(extra - wid, 0), 1)
        f_lo = lax.iota(jnp.int32, L)
        fvecs = [
            f0 + jnp.bitwise_and(d + f_lo, L - 1)
            for f0 in (0, L)
            for d in range(L)
        ]
        stages = (st0, st1)
        obufs = (ob0, ob1)
        lsems = (ls0, ls1)
        wsems = (ws0, ws1)

        for tabT, tl, out in ((utabT, utail, uout), (itabT, itail, iout)):
            def load(i, slot, tabT=tabT):
                @pl.when(i < count)
                def _():
                    sc = wid + i * NW
                    pltpu.async_copy(
                        tabT.at[:, pl.ds(sc * W, W)], stages[slot], lsems[slot]
                    )

            def proc(i, slot, tabT=tabT, out=out):
                @pl.when(i < count)
                def _():
                    sc = wid + i * NW
                    stage, obuf = stages[slot], obufs[slot]
                    pltpu.make_async_copy(
                        tabT.at[:, pl.ds(0, W)], stage, lsems[slot]
                    ).wait()

                    @functools.partial(plsc.parallel_loop, 0, W // L, unroll=4)
                    def _per_blk(b):
                        cvec = b * L + f_lo
                        pos_base = cvec * D
                        for fv in fvecs:
                            v = plsc.load_gather(stage, [fv, cvec])
                            plsc.store_scatter(obuf, [pos_base + fv], v)
                    @pl.when(i >= 2)
                    def _w():
                        pltpu.make_async_copy(
                            out.at[pl.ds(0, W * D)], obuf, wsems[slot]
                        ).wait()

                    pltpu.async_copy(
                        obuf, out.at[pl.ds(sc * W * D, W * D)], wsems[slot]
                    )

            load(0, 0)

            def pair(g, _):
                i0, i1 = 2 * g, 2 * g + 1
                load(i1, 1)
                proc(i0, 0)
                load(i1 + 1, 0)
                proc(i1, 1)
                return _

            lax.fori_loop(0, (base_cnt + 2) // 2, pair, 0)
            for slot in (0, 1):
                @pl.when(count > slot)
                def _fd(slot=slot, out=out):
                    pltpu.make_async_copy(
                        out.at[pl.ds(0, W * D)], obufs[slot], wsems[slot]
                    ).wait()

            @pl.when(wid == 0)
            def _copy_tail(tl=tl, out=out):
                pltpu.sync_copy(tl, out.at[pl.ds(n_full * TILE * D, tail * D)])

    return detile_k


@functools.lru_cache(maxsize=None)
def _make_gather(B, D):
    info = plsc.get_sparse_core_info()
    NC, NS = info.num_cores, info.num_subcores
    NW = NC * NS
    b_per_w = B // NW
    n_chunks = b_per_w // CHUNK
    mesh = plsc.VectorSubcoreMesh(core_axis_name="c", subcore_axis_name="s")

    @functools.partial(
        pl.kernel,
        mesh=mesh,
        out_type=[
            jax.ShapeDtypeStruct((B, D), jnp.float32),
            jax.ShapeDtypeStruct((B, D), jnp.float32),
        ],
        scratch_types=[
            pltpu.VMEM((n_chunks, CHUNK), jnp.int32),
            pltpu.VMEM((n_chunks, CHUNK), jnp.int32),
            pltpu.VMEM((b_per_w, D), jnp.float32),
            pltpu.VMEM((b_per_w, D), jnp.float32),
            pltpu.SemaphoreType.DMA,
        ],
        compiler_params=pltpu.CompilerParams(use_tc_tiling_on_sc=False),
    )
    def gather_k(utab, itab, uidx, iidx, uout, iout, uidx_v, iidx_v, urows, irows, sem):
        wid = lax.axis_index("s") * NC + lax.axis_index("c")
        row0 = wid * n_chunks
        pltpu.sync_copy(uidx.at[pl.ds(row0, n_chunks)], uidx_v)
        pltpu.sync_copy(iidx.at[pl.ds(row0, n_chunks)], iidx_v)
        copies = []
        for j in range(n_chunks):
            copies.append(
                pltpu.async_copy(utab.at[uidx_v.at[j]], urows.at[pl.ds(j * CHUNK, CHUNK)], sem)
            )
            copies.append(
                pltpu.async_copy(itab.at[iidx_v.at[j]], irows.at[pl.ds(j * CHUNK, CHUNK)], sem)
            )
        for c in copies:
            c.wait()
        base = wid * b_per_w
        pltpu.sync_copy(urows, uout.at[pl.ds(base, b_per_w)])
        pltpu.sync_copy(irows, iout.at[pl.ds(base, b_per_w)])

    return gather_k


def _desc_body(desc, Wd, bd, out):
    out[...] = jnp.maximum(
        jnp.dot(desc[...], Wd[...], preferred_element_type=jnp.float32) + bd[...], 0.0
    )


def _desc_proj(desc, Wd, bd):
    B, K = desc.shape
    D = Wd.shape[1]
    BB = 2048
    return pl.pallas_call(
        _desc_body,
        grid=(B // BB,),
        in_specs=[
            pl.BlockSpec((BB, K), lambda i: (i, 0)),
            pl.BlockSpec(Wd.shape, lambda i: (0, 0)),
            pl.BlockSpec(bd.shape, lambda i: (0, 0)),
        ],
        out_specs=pl.BlockSpec((BB, D), lambda i: (i, 0)),
        out_shape=jax.ShapeDtypeStruct((B, D), jnp.float32),
    )(desc, Wd, bd)


def _mlp_body(uemb, iemb, dd, W1, b1, W2, b2, Wo, bo, out):
    W1v = W1[...]
    h = (
        jnp.dot(uemb[...], W1v[0:EMBED], preferred_element_type=jnp.float32)
        + jnp.dot(iemb[...], W1v[EMBED : 2 * EMBED], preferred_element_type=jnp.float32)
        + jnp.dot(dd[...], W1v[2 * EMBED :], preferred_element_type=jnp.float32)
        + b1[...]
    )
    h = jnp.maximum(h, 0.0)
    h2 = jnp.maximum(
        jnp.dot(h, W2[...], preferred_element_type=jnp.float32) + b2[...], 0.0
    )
    out[...] = jnp.sum(h2 * Wo[...], axis=1, keepdims=True) + bo[...]


def _mlp(uemb, iemb, dd, W1, b1, W2, b2, Wo, bo):
    B, D = uemb.shape
    BB = 4096

    def row_blk(shape):
        return pl.BlockSpec(shape, lambda i: (i, 0))

    def full_blk(shape):
        return pl.BlockSpec(shape, lambda i: (0, 0))

    return pl.pallas_call(
        _mlp_body,
        grid=(B // BB,),
        in_specs=[
            row_blk((BB, D)),
            row_blk((BB, D)),
            row_blk((BB, D)),
            full_blk(W1.shape),
            full_blk(b1.shape),
            full_blk(W2.shape),
            full_blk(b2.shape),
            full_blk(Wo.shape),
            full_blk(bo.shape),
        ],
        out_specs=row_blk((BB, 1)),
        out_shape=jax.ShapeDtypeStruct((B, 1), jnp.float32),
    )(uemb, iemb, dd, W1, b1, W2, b2, Wo, bo)


@jax.jit
def kernel(user_input, item_input, description_input, user_table, item_table,
           W_desc, b_desc, W1, b1, W2, b2, W_out, b_out):
    B = user_input.shape[0]
    N = user_table.shape[0]
    uidx = user_input.reshape(B // CHUNK, CHUNK)
    iidx = item_input.reshape(B // CHUNK, CHUNK)
    split = (N // TILE) * TILE
    ulin, ilin = _make_detile(N, EMBED)(
        user_table.T, item_table.T,
        user_table[split:].reshape(-1), item_table[split:].reshape(-1),
    )
    uemb, iemb = _make_gather(B, EMBED)(
        ulin.reshape(N, EMBED), ilin.reshape(N, EMBED), uidx, iidx
    )
    dd = _desc_proj(description_input, W_desc, b_desc.reshape(1, -1))
    return _mlp(
        uemb, iemb, dd,
        W1, b1.reshape(1, -1),
        W2, b2.reshape(1, -1),
        W_out.reshape(1, -1), b_out.reshape(1, -1),
    )

# --- scband reference (transcript-rebuilt; emitter-appended) ---
"""Pipeline reference for scband-recommender-model-3178275799408 (READ-ONLY COPY).

The authoritative reference and input builder live on the scoring server;
editing this copy changes nothing except your own understanding.
"""

import jax, jax.numpy as jnp
import numpy as np

N_USERS = 1000000
N_ITEMS = 1000000
EMBED_DIM = 32
BATCH = 16384
DESC_DIM = 300


def setup_inputs(seed: int = 0) -> dict:
    key = jax.random.key(seed)
    ks = jax.random.split(key, 12)
    user_input = jax.random.randint(ks[0], (BATCH, 1), 0, N_USERS, dtype=jnp.int64 if jax.config.jax_enable_x64 else jnp.int32).astype(jnp.int32)
    item_input = jax.random.randint(ks[1], (BATCH, 1), 0, N_ITEMS, dtype=jnp.int32)
    description_input = jax.random.normal(ks[2], (BATCH, DESC_DIM), dtype=jnp.float32)
    user_table = jax.random.normal(ks[3], (N_USERS, EMBED_DIM), dtype=jnp.float32) * 0.02
    item_table = jax.random.normal(ks[4], (N_ITEMS, EMBED_DIM), dtype=jnp.float32) * 0.02
    W_desc = jax.random.normal(ks[5], (DESC_DIM, EMBED_DIM), dtype=jnp.float32) * (1.0 / np.sqrt(DESC_DIM))
    b_desc = jnp.zeros((EMBED_DIM,), dtype=jnp.float32)
    W1 = jax.random.normal(ks[6], (EMBED_DIM * 3, 64), dtype=jnp.float32) * (1.0 / np.sqrt(EMBED_DIM * 3))
    b1 = jnp.zeros((64,), dtype=jnp.float32)
    W2 = jax.random.normal(ks[7], (64, 32), dtype=jnp.float32) * (1.0 / np.sqrt(64))
    b2 = jnp.zeros((32,), dtype=jnp.float32)
    W_out = jax.random.normal(ks[8], (32, 1), dtype=jnp.float32) * (1.0 / np.sqrt(32))
    b_out = jnp.zeros((1,), dtype=jnp.float32)
    return {
        'user_input': user_input,
        'item_input': item_input,
        'description_input': description_input,
        'user_table': user_table,
        'item_table': item_table,
        'W_desc': W_desc,
        'b_desc': b_desc,
        'W1': W1,
        'b1': b1,
        'W2': W2,
        'b2': b2,
        'W_out': W_out,
        'b_out': b_out,
    }


def reference(user_input, item_input, description_input, user_table, item_table,
              W_desc, b_desc, W1, b1, W2, b2, W_out, b_out):
    # dropout is identity in eval mode
    user_embedded = jnp.take(user_table, user_input[:, 0], axis=0)   # [B, D]
    item_embedded = jnp.take(item_table, item_input[:, 0], axis=0)   # [B, D]
    description_dense = jax.nn.relu(description_input @ W_desc + b_desc)  # [B, D]
    concatenated = jnp.concatenate([user_embedded, item_embedded, description_dense], axis=1)  # [B, 3D]
    dense1 = jax.nn.relu(concatenated @ W1 + b1)
    dense2 = jax.nn.relu(dense1 @ W2 + b2)
    output = dense2 @ W_out + b_out
    return output

if __name__ == "__main__":
    import jax
    _d = setup_inputs()
    print(jax.jit(kernel)(*tuple(_d.values())))

</pallas_src>

<mosaic_0001>
#map = affine_map<(d0, d1) -> (0, 0)>
module attributes {stable_mosaic.version = 14 : i64} {
  func.func @gather_k(%arg0: i32, %arg1: i32, %arg2: memref<1000000x32xf32, #tpu.memory_space<hbm>>, %arg3: memref<1000000x32xf32, #tpu.memory_space<hbm>>, %arg4: memref<128x128xi32, #tpu.memory_space<hbm>>, %arg5: memref<128x128xi32, #tpu.memory_space<hbm>>, %arg6: memref<16384x32xf32, #tpu.memory_space<hbm>>, %arg7: memref<16384x32xf32, #tpu.memory_space<hbm>>, %arg8: memref<4x128xi32, #tpu.memory_space<vmem>>, %arg9: memref<4x128xi32, #tpu.memory_space<vmem>>, %arg10: memref<512x32xf32, #tpu.memory_space<vmem>>, %arg11: memref<512x32xf32, #tpu.memory_space<vmem>>, %arg12: memref<!tpu.dma_semaphore, #tpu.memory_space<semaphore_mem>>) attributes {dimension_semantics = [#tpu.dimension_semantics<core_parallel>, #tpu.dimension_semantics<subcore_parallel>], iteration_bounds = array<i64: 2, 16>, scalar_prefetch = 0 : i64, scratch_operands = 5 : i64, tpu.core_type = #tpu.core_type<sc_vector_subcore>, window_params = [{transform_indices = #map}, {transform_indices = #map}, {transform_indices = #map}, {transform_indices = #map}, {transform_indices = #map}, {transform_indices = #map}]} {
    %mul3A = arith.constant 2 : i32
    %mul3A_0 = arith.muli %arg1, %mul3A : i32
    %add3A = arith.addi %mul3A_0, %arg0 : i32
    %mul3A_1 = arith.constant 4 : i32
    %mul3A_2 = arith.muli %add3A, %mul3A_1 : i32
    "tpu.region"() ({
      %run_scoped3A = tpu.sem_alloc : memref<!tpu.dma_semaphore, #tpu.memory_space<semaphore_mem>>
      %dma_start3A_163 = arith.constant 0 : i32
      %dma_start3A_164 = tpu.memref_slice %arg4[%mul3A_2, %dma_start3A_163] : memref<128x128xi32, #tpu.memory_space<hbm>> -> memref<4x128xi32, #tpu.memory_space<hbm>>
      %dma_start3A_165 = arith.constant 0 : i32
      %dma_start3A_166 = tpu.memref_slice %arg4[%mul3A_2, %dma_start3A_165] : memref<128x128xi32, #tpu.memory_space<hbm>> -> memref<4x128xi32, #tpu.memory_space<hbm>>
      tpu.enqueue_dma source(%dma_start3A_166 : memref<4x128xi32, #tpu.memory_space<hbm>>) target(%arg8 : memref<4x128xi32, #tpu.memory_space<vmem>>) target_semaphore(%run_scoped3A : memref<!tpu.dma_semaphore, #tpu.memory_space<semaphore_mem>>)
      %dma_wait3A_167 = arith.constant 0 : i32
      %dma_wait3A_168 = tpu.memref_slice %arg4[%mul3A_2, %dma_wait3A_167] : memref<128x128xi32, #tpu.memory_space<hbm>> -> memref<4x128xi32, #tpu.memory_space<hbm>>
      %dma_wait3A_169 = arith.constant 0 : i32
      %dma_wait3A_170 = tpu.memref_slice %arg4[%mul3A_2, %dma_wait3A_169] : memref<128x128xi32, #tpu.memory_space<hbm>> -> memref<4x128xi32, #tpu.memory_space<hbm>>
      tpu.wait_dma2 semaphore(%run_scoped3A : memref<!tpu.dma_semaphore, #tpu.memory_space<semaphore_mem>>) src(%dma_wait3A_170 : memref<4x128xi32, #tpu.memory_space<hbm>>) dst(%arg8 : memref<4x128xi32, #tpu.memory_space<vmem>>)
      tpu.yield
    }) : () -> ()
    "tpu.region"() ({
      %run_scoped3A = tpu.sem_alloc : memref<!tpu.dma_semaphore, #tpu.memory_space<semaphore_mem>>
      %dma_start3A_163 = arith.constant 0 : i32
      %dma_start3A_164 = tpu.memref_slice %arg5[%mul3A_2, %dma_start3A_163] : memref<128x128xi32, #tpu.memory_space<hbm>> -> memref<4x128xi32, #tpu.memory_space<hbm>>
      %dma_start3A_165 = arith.constant 0 : i32
      %dma_start3A_166 = tpu.memref_slice %arg5[%mul3A_2, %dma_start3A_165] : memref<128x128xi32, #tpu.memory_space<hbm>> -> memref<4x128xi32, #tpu.memory_space<hbm>>
      tpu.enqueue_dma source(%dma_start3A_166 : memref<4x128xi32, #tpu.memory_space<hbm>>) target(%arg9 : memref<4x128xi32, #tpu.memory_space<vmem>>) target_semaphore(%run_scoped3A : memref<!tpu.dma_semaphore, #tpu.memory_space<semaphore_mem>>)
      %dma_wait3A_167 = arith.constant 0 : i32
      %dma_wait3A_168 = tpu.memref_slice %arg5[%mul3A_2, %dma_wait3A_167] : memref<128x128xi32, #tpu.memory_space<hbm>> -> memref<4x128xi32, #tpu.memory_space<hbm>>
      %dma_wait3A_169 = arith.constant 0 : i32
      %dma_wait3A_170 = tpu.memref_slice %arg5[%mul3A_2, %dma_wait3A_169] : memref<128x128xi32, #tpu.memory_space<hbm>> -> memref<4x128xi32, #tpu.memory_space<hbm>>
      tpu.wait_dma2 semaphore(%run_scoped3A : memref<!tpu.dma_semaphore, #tpu.memory_space<semaphore_mem>>) src(%dma_wait3A_170 : memref<4x128xi32, #tpu.memory_space<hbm>>) dst(%arg9 : memref<4x128xi32, #tpu.memory_space<vmem>>)
      tpu.yield
    }) : () -> ()
    %dma_start3A = arith.constant 0 : i32
    %dma_start3A_3 = arith.constant 0 : i32
    %dma_start3A_4 = arith.constant 0 : i32
    %dma_start3A_5 = tpu.memref_slice %arg10[%dma_start3A_3, %dma_start3A_4] : memref<512x32xf32, #tpu.memory_space<vmem>> -> memref<128x32xf32, #tpu.memory_space<vmem>>
    %dma_start3A_6 = arith.constant 0 : i32
    %dma_start3A_7 = tpu.memref_slice %arg8[%dma_start3A, %dma_start3A_6] : memref<4x128xi32, #tpu.memory_space<vmem>> -> memref<1x128xi32, #tpu.memory_space<vmem>>
    %dma_start3A_8 = tpu.memref_squeeze %dma_start3A_7 : memref<1x128xi32, #tpu.memory_space<vmem>> -> memref<128xi32, #tpu.memory_space<vmem>>
    %dma_start3A_9 = arith.constant 0 : i32
    %dma_start3A_10 = arith.constant 0 : i32
    %dma_start3A_11 = tpu.memref_slice %arg2[%dma_start3A_9, %dma_start3A_10] : memref<1000000x32xf32, #tpu.memory_space<hbm>> -> memref<1000000x32xf32, #tpu.memory_space<hbm>>
    tpu.enqueue_indirect_dma source(%dma_start3A_11 : memref<1000000x32xf32, #tpu.memory_space<hbm>>) target(%dma_start3A_5 : memref<128x32xf32, #tpu.memory_space<vmem>>) offsets(%dma_start3A_8 : memref<128xi32, #tpu.memory_space<vmem>>) semaphore(%arg12 : memref<!tpu.dma_semaphore, #tpu.memory_space<semaphore_mem>>)
    %dma_start3A_12 = arith.constant 0 : i32
    %dma_start3A_13 = arith.constant 0 : i32
    %dma_start3A_14 = arith.constant 0 : i32
    %dma_start3A_15 = tpu.memref_slice %arg11[%dma_start3A_13, %dma_start3A_14] : memref<512x32xf32, #tpu.memory_space<vmem>> -> memref<128x32xf32, #tpu.memory_space<vmem>>
    %dma_start3A_16 = arith.constant 0 : i32
    %dma_start3A_17 = tpu.memref_slice %arg9[%dma_start3A_12, %dma_start3A_16] : memref<4x128xi32, #tpu.memory_space<vmem>> -> memref<1x128xi32, #tpu.memory_space<vmem>>
    %dma_start3A_18 = tpu.memref_squeeze %dma_start3A_17 : memref<1x128xi32, #tpu.memory_space<vmem>> -> memref<128xi32, #tpu.memory_space<vmem>>
    %dma_start3A_19 = arith.constant 0 : i32
    %dma_start3A_20 = arith.constant 0 : i32
    %dma_start3A_21 = tpu.memref_slice %arg3[%dma_start3A_19, %dma_start3A_20] : memref<1000000x32xf32, #tpu.memory_space<hbm>> -> memref<1000000x32xf32, #tpu.memory_space<hbm>>
    tpu.enqueue_indirect_dma source(%dma_start3A_21 : memref<1000000x32xf32, #tpu.memory_space<hbm>>) target(%dma_start3A_15 : memref<128x32xf32, #tpu.memory_space<vmem>>) offsets(%dma_start3A_18 : memref<128xi32, #tpu.memory_space<vmem>>) semaphore(%arg12 : memref<!tpu.dma_semaphore, #tpu.memory_space<semaphore_mem>>)
    %dma_start3A_22 = arith.constant 1 : i32
    %dma_start3A_23 = arith.constant 128 : i32
    %dma_start3A_24 = arith.constant 0 : i32
    %dma_start3A_25 = tpu.memref_slice %arg10[%dma_start3A_23, %dma_start3A_24] : memref<512x32xf32, #tpu.memory_space<vmem>> -> memref<128x32xf32, #tpu.memory_space<vmem>>
    %dma_start3A_26 = arith.constant 0 : i32
    %dma_start3A_27 = tpu.memref_slice %arg8[%dma_start3A_22, %dma_start3A_26] : memref<4x128xi32, #tpu.memory_space<vmem>> -> memref<1x128xi32, #tpu.memory_space<vmem>>
    %dma_start3A_28 = tpu.memref_squeeze %dma_start3A_27 : memref<1x128xi32, #tpu.memory_space<vmem>> -> memref<128xi32, #tpu.memory_space<vmem>>
    %dma_start3A_29 = arith.constant 0 : i32
    %dma_start3A_30 = arith.constant 0 : i32
    %dma_start3A_31 = tpu.memref_slice %arg2[%dma_start3A_29, %dma_start3A_30] : memref<1000000x32xf32, #tpu.memory_space<hbm>> -> memref<1000000x32xf32, #tpu.memory_space<hbm>>
    tpu.enqueue_indirect_dma source(%dma_start3A_31 : memref<1000000x32xf32, #tpu.memory_space<hbm>>) target(%dma_start3A_25 : memref<128x32xf32, #tpu.memory_space<vmem>>) offsets(%dma_start3A_28 : memref<128xi32, #tpu.memory_space<vmem>>) semaphore(%arg12 : memref<!tpu.dma_semaphore, #tpu.memory_space<semaphore_mem>>)
    %dma_start3A_32 = arith.constant 1 : i32
    %dma_start3A_33 = arith.constant 128 : i32
    %dma_start3A_34 = arith.constant 0 : i32
    %dma_start3A_35 = tpu.memref_slice %arg11[%dma_start3A_33, %dma_start3A_34] : memref<512x32xf32, #tpu.memory_space<vmem>> -> memref<128x32xf32, #tpu.memory_space<vmem>>
    %dma_start3A_36 = arith.constant 0 : i32
    %dma_start3A_37 = tpu.memref_slice %arg9[%dma_start3A_32, %dma_start3A_36] : memref<4x128xi32, #tpu.memory_space<vmem>> -> memref<1x128xi32, #tpu.memory_space<vmem>>
    %dma_start3A_38 = tpu.memref_squeeze %dma_start3A_37 : memref<1x128xi32, #tpu.memory_space<vmem>> -> memref<128xi32, #tpu.memory_space<vmem>>
    %dma_start3A_39 = arith.constant 0 : i32
    %dma_start3A_40 = arith.constant 0 : i32
    %dma_start3A_41 = tpu.memref_slice %arg3[%dma_start3A_39, %dma_start3A_40] : memref<1000000x32xf32, #tpu.memory_space<hbm>> -> memref<1000000x32xf32, #tpu.memory_space<hbm>>
    tpu.enqueue_indirect_dma source(%dma_start3A_41 : memref<1000000x32xf32, #tpu.memory_space<hbm>>) target(%dma_start3A_35 : memref<128x32xf32, #tpu.memory_space<vmem>>) offsets(%dma_start3A_38 : memref<128xi32, #tpu.memory_space<vmem>>) semaphore(%arg12 : memref<!tpu.dma_semaphore, #tpu.memory_space<semaphore_mem>>)
    %dma_start3A_42 = arith.constant 2 : i32
    %dma_start3A_43 = arith.constant 256 : i32
    %dma_start3A_44 = arith.constant 0 : i32
    %dma_start3A_45 = tpu.memref_slice %arg10[%dma_start3A_43, %dma_start3A_44] : memref<512x32xf32, #tpu.memory_space<vmem>> -> memref<128x32xf32, #tpu.memory_space<vmem>>
    %dma_start3A_46 = arith.constant 0 : i32
    %dma_start3A_47 = tpu.memref_slice %arg8[%dma_start3A_42, %dma_start3A_46] : memref<4x128xi32, #tpu.memory_space<vmem>> -> memref<1x128xi32, #tpu.memory_space<vmem>>
    %dma_start3A_48 = tpu.memref_squeeze %dma_start3A_47 : memref<1x128xi32, #tpu.memory_space<vmem>> -> memref<128xi32, #tpu.memory_space<vmem>>
    %dma_start3A_49 = arith.constant 0 : i32
    %dma_start3A_50 = arith.constant 0 : i32
    %dma_start3A_51 = tpu.memref_slice %arg2[%dma_start3A_49, %dma_start3A_50] : memref<1000000x32xf32, #tpu.memory_space<hbm>> -> memref<1000000x32xf32, #tpu.memory_space<hbm>>
    tpu.enqueue_indirect_dma source(%dma_start3A_51 : memref<1000000x32xf32, #tpu.memory_space<hbm>>) target(%dma_start3A_45 : memref<128x32xf32, #tpu.memory_space<vmem>>) offsets(%dma_start3A_48 : memref<128xi32, #tpu.memory_space<vmem>>) semaphore(%arg12 : memref<!tpu.dma_semaphore, #tpu.memory_space<semaphore_mem>>)
    %dma_start3A_52 = arith.constant 2 : i32
    %dma_start3A_53 = arith.constant 256 : i32
    %dma_start3A_54 = arith.constant 0 : i32
    %dma_start3A_55 = tpu.memref_slice %arg11[%dma_start3A_53, %dma_start3A_54] : memref<512x32xf32, #tpu.memory_space<vmem>> -> memref<128x32xf32, #tpu.memory_space<vmem>>
    %dma_start3A_56 = arith.constant 0 : i32
    %dma_start3A_57 = tpu.memref_slice %arg9[%dma_start3A_52, %dma_start3A_56] : memref<4x128xi32, #tpu.memory_space<vmem>> -> memref<1x128xi32, #tpu.memory_space<vmem>>
    %dma_start3A_58 = tpu.memref_squeeze %dma_start3A_57 : memref<1x128xi32, #tpu.memory_space<vmem>> -> memref<128xi32, #tpu.memory_space<vmem>>
    %dma_start3A_59 = arith.constant 0 : i32
    %dma_start3A_60 = arith.constant 0 : i32
    %dma_start3A_61 = tpu.memref_slice %arg3[%dma_start3A_59, %dma_start3A_60] : memref<1000000x32xf32, #tpu.memory_space<hbm>> -> memref<1000000x32xf32, #tpu.memory_space<hbm>>
    tpu.enqueue_indirect_dma source(%dma_start3A_61 : memref<1000000x32xf32, #tpu.memory_space<hbm>>) target(%dma_start3A_55 : memref<128x32xf32, #tpu.memory_space<vmem>>) offsets(%dma_start3A_58 : memref<128xi32, #tpu.memory_space<vmem>>) semaphore(%arg12 : memref<!tpu.dma_semaphore, #tpu.memory_space<semaphore_mem>>)
    %dma_start3A_62 = arith.constant 3 : i32
    %dma_start3A_63 = arith.constant 384 : i32
    %dma_start3A_64 = arith.constant 0 : i32
    %dma_start3A_65 = tpu.memref_slice %arg10[%dma_start3A_63, %dma_start3A_64] : memref<512x32xf32, #tpu.memory_space<vmem>> -> memref<128x32xf32, #tpu.memory_space<vmem>>
    %dma_start3A_66 = arith.constant 0 : i32
    %dma_start3A_67 = tpu.memref_slice %arg8[%dma_start3A_62, %dma_start3A_66] : memref<4x128xi32, #tpu.memory_space<vmem>> -> memref<1x128xi32, #tpu.memory_space<vmem>>
    %dma_start3A_68 = tpu.memref_squeeze %dma_start3A_67 : memref<1x128xi32, #tpu.memory_space<vmem>> -> memref<128xi32, #tpu.memory_space<vmem>>
    %dma_start3A_69 = arith.constant 0 : i32
    %dma_start3A_70 = arith.constant 0 : i32
    %dma_start3A_71 = tpu.memref_slice %arg2[%dma_start3A_69, %dma_start3A_70] : memref<1000000x32xf32, #tpu.memory_space<hbm>> -> memref<1000000x32xf32, #tpu.memory_space<hbm>>
    tpu.enqueue_indirect_dma source(%dma_start3A_71 : memref<1000000x32xf32, #tpu.memory_space<hbm>>) target(%dma_start3A_65 : memref<128x32xf32, #tpu.memory_space<vmem>>) offsets(%dma_start3A_68 : memref<128xi32, #tpu.memory_space<vmem>>) semaphore(%arg12 : memref<!tpu.dma_semaphore, #tpu.memory_space<semaphore_mem>>)
    %dma_start3A_72 = arith.constant 3 : i32
    %dma_start3A_73 = arith.constant 384 : i32
    %dma_start3A_74 = arith.constant 0 : i32
    %dma_start3A_75 = tpu.memref_slice %arg11[%dma_start3A_73, %dma_start3A_74] : memref<512x32xf32, #tpu.memory_space<vmem>> -> memref<128x32xf32, #tpu.memory_space<vmem>>
    %dma_start3A_76 = arith.constant 0 : i32
    %dma_start3A_77 = tpu.memref_slice %arg9[%dma_start3A_72, %dma_start3A_76] : memref<4x128xi32, #tpu.memory_space<vmem>> -> memref<1x128xi32, #tpu.memory_space<vmem>>
    %dma_start3A_78 = tpu.memref_squeeze %dma_start3A_77 : memref<1x128xi32, #tpu.memory_space<vmem>> -> memref<128xi32, #tpu.memory_space<vmem>>
    %dma_start3A_79 = arith.constant 0 : i32
    %dma_start3A_80 = arith.constant 0 : i32
    %dma_start3A_81 = tpu.memref_slice %arg3[%dma_start3A_79, %dma_start3A_80] : memref<1000000x32xf32, #tpu.memory_space<hbm>> -> memref<1000000x32xf32, #tpu.memory_space<hbm>>
    tpu.enqueue_indirect_dma source(%dma_start3A_81 : memref<1000000x32xf32, #tpu.memory_space<hbm>>) target(%dma_start3A_75 : memref<128x32xf32, #tpu.memory_space<vmem>>) offsets(%dma_start3A_78 : memref<128xi32, #tpu.memory_space<vmem>>) semaphore(%arg12 : memref<!tpu.dma_semaphore, #tpu.memory_space<semaphore_mem>>)
    %dma_wait3A = arith.constant 0 : i32
    %dma_wait3A_82 = arith.constant 0 : i32
    %dma_wait3A_83 = arith.constant 0 : i32
    %dma_wait3A_84 = tpu.memref_slice %arg10[%dma_wait3A_82, %dma_wait3A_83] : memref<512x32xf32, #tpu.memory_space<vmem>> -> memref<128x32xf32, #tpu.memory_space<vmem>>
    %dma_wait3A_85 = arith.constant 0 : i32
    %dma_wait3A_86 = tpu.memref_slice %arg8[%dma_wait3A, %dma_wait3A_85] : memref<4x128xi32, #tpu.memory_space<vmem>> -> memref<1x128xi32, #tpu.memory_space<vmem>>
    %dma_wait3A_87 = tpu.memref_squeeze %dma_wait3A_86 : memref<1x128xi32, #tpu.memory_space<vmem>> -> memref<128xi32, #tpu.memory_space<vmem>>
    %dma_wait3A_88 = arith.constant 0 : i32
    %dma_wait3A_89 = arith.constant 0 : i32
    %dma_wait3A_90 = tpu.memref_slice %arg2[%dma_wait3A_88, %dma_wait3A_89] : memref<1000000x32xf32, #tpu.memory_space<hbm>> -> memref<1000000x32xf32, #tpu.memory_space<hbm>>
    tpu.wait_indirect_dma semaphore(%arg12 : memref<!tpu.dma_semaphore, #tpu.memory_space<semaphore_mem>>) src(%dma_wait3A_90 : memref<1000000x32xf32, #tpu.memory_space<hbm>>) dst(%dma_wait3A_84 : memref<128x32xf32, #tpu.memory_space<vmem>>)
    %dma_wait3A_91 = arith.constant 0 : i32
    %dma_wait3A_92 = arith.constant 0 : i32
    %dma_wait3A_93 = arith.constant 0 : i32
    %dma_wait3A_94 = tpu.memref_slice %arg11[%dma_wait3A_92, %dma_wait3A_93] : memref<512x32xf32, #tpu.memory_space<vmem>> -> memref<128x32xf32, #tpu.memory_space<vmem>>
    %dma_wait3A_95 = arith.constant 0 : i32
    %dma_wait3A_96 = tpu.memref_slice %arg9[%dma_wait3A_91, %dma_wait3A_95] : memref<4x128xi32, #tpu.memory_space<vmem>> -> memref<1x128xi32, #tpu.memory_space<vmem>>
    %dma_wait3A_97 = tpu.memref_squeeze %dma_wait3A_96 : memref<1x128xi32, #tpu.memory_space<vmem>> -> memref<128xi32, #tpu.memory_space<vmem>>
    %dma_wait3A_98 = arith.constant 0 : i32
    %dma_wait3A_99 = arith.constant 0 : i32
    %dma_wait3A_100 = tpu.memref_slice %arg3[%dma_wait3A_98, %dma_wait3A_99] : memref<1000000x32xf32, #tpu.memory_space<hbm>> -> memref<1000000x32xf32, #tpu.memory_space<hbm>>
    tpu.wait_indirect_dma semaphore(%arg12 : memref<!tpu.dma_semaphore, #tpu.memory_space<semaphore_mem>>) src(%dma_wait3A_100 : memref<1000000x32xf32, #tpu.memory_space<hbm>>) dst(%dma_wait3A_94 : memref<128x32xf32, #tpu.memory_space<vmem>>)
    %dma_wait3A_101 = arith.constant 1 : i32
    %dma_wait3A_102 = arith.constant 128 : i32
    %dma_wait3A_103 = arith.constant 0 : i32
    %dma_wait3A_104 = tpu.memref_slice %arg10[%dma_wait3A_102, %dma_wait3A_103] : memref<512x32xf32, #tpu.memory_space<vmem>> -> memref<128x32xf32, #tpu.memory_space<vmem>>
    %dma_wait3A_105 = arith.constant 0 : i32
    %dma_wait3A_106 = tpu.memref_slice %arg8[%dma_wait3A_101, %dma_wait3A_105] : memref<4x128xi32, #tpu.memory_space<vmem>> -> memref<1x128xi32, #tpu.memory_space<vmem>>
    %dma_wait3A_107 = tpu.memref_squeeze %dma_wait3A_106 : memref<1x128xi32, #tpu.memory_space<vmem>> -> memref<128xi32, #tpu.memory_space<vmem>>
    %dma_wait3A_108 = arith.constant 0 : i32
    %dma_wait3A_109 = arith.constant 0 : i32
    %dma_wait3A_110 = tpu.memref_slice %arg2[%dma_wait3A_108, %dma_wait3A_109] : memref<1000000x32xf32, #tpu.memory_space<hbm>> -> memref<1000000x32xf32, #tpu.memory_space<hbm>>
    tpu.wait_indirect_dma semaphore(%arg12 : memref<!tpu.dma_semaphore, #tpu.memory_space<semaphore_mem>>) src(%dma_wait3A_110 : memref<1000000x32xf32, #tpu.memory_space<hbm>>) dst(%dma_wait3A_104 : memref<128x32xf32, #tpu.memory_space<vmem>>)
    %dma_wait3A_111 = arith.constant 1 : i32
    %dma_wait3A_112 = arith.constant 128 : i32
    %dma_wait3A_113 = arith.constant 0 : i32
    %dma_wait3A_114 = tpu.memref_slice %arg11[%dma_wait3A_112, %dma_wait3A_113] : memref<512x32xf32, #tpu.memory_space<vmem>> -> memref<128x32xf32, #tpu.memory_space<vmem>>
    %dma_wait3A_115 = arith.constant 0 : i32
    %dma_wait3A_116 = tpu.memref_slice %arg9[%dma_wait3A_111, %dma_wait3A_115] : memref<4x128xi32, #tpu.memory_space<vmem>> -> memref<1x128xi32, #tpu.memory_space<vmem>>
    %dma_wait3A_117 = tpu.memref_squeeze %dma_wait3A_116 : memref<1x128xi32, #tpu.memory_space<vmem>> -> memref<128xi32, #tpu.memory_space<vmem>>
    %dma_wait3A_118 = arith.constant 0 : i32
    %dma_wait3A_119 = arith.constant 0 : i32
    %dma_wait3A_120 = tpu.memref_slice %arg3[%dma_wait3A_118, %dma_wait3A_119] : memref<1000000x32xf32, #tpu.memory_space<hbm>> -> memref<1000000x32xf32, #tpu.memory_space<hbm>>
    tpu.wait_indirect_dma semaphore(%arg12 : memref<!tpu.dma_semaphore, #tpu.memory_space<semaphore_mem>>) src(%dma_wait3A_120 : memref<1000000x32xf32, #tpu.memory_space<hbm>>) dst(%dma_wait3A_114 : memref<128x32xf32, #tpu.memory_space<vmem>>)
    %dma_wait3A_121 = arith.constant 2 : i32
    %dma_wait3A_122 = arith.constant 256 : i32
    %dma_wait3A_123 = arith.constant 0 : i32
    %dma_wait3A_124 = tpu.memref_slice %arg10[%dma_wait3A_122, %dma_wait3A_123] : memref<512x32xf32, #tpu.memory_space<vmem>> -> memref<128x32xf32, #tpu.memory_space<vmem>>
    %dma_wait3A_125 = arith.constant 0 : i32
    %dma_wait3A_126 = tpu.memref_slice %arg8[%dma_wait3A_121, %dma_wait3A_125] : memref<4x128xi32, #tpu.memory_space<vmem>> -> memref<1x128xi32, #tpu.memory_space<vmem>>
    %dma_wait3A_127 = tpu.memref_squeeze %dma_wait3A_126 : memref<1x128xi32, #tpu.memory_space<vmem>> -> memref<128xi32, #tpu.memory_space<vmem>>
    %dma_wait3A_128 = arith.constant 0 : i32
    %dma_wait3A_129 = arith.constant 0 : i32
    %dma_wait3A_130 = tpu.memref_slice %arg2[%dma_wait3A_128, %dma_wait3A_129] : memref<1000000x32xf32, #tpu.memory_space<hbm>> -> memref<1000000x32xf32, #tpu.memory_space<hbm>>
    tpu.wait_indirect_dma semaphore(%arg12 : memref<!tpu.dma_semaphore, #tpu.memory_space<semaphore_mem>>) src(%dma_wait3A_130 : memref<1000000x32xf32, #tpu.memory_space<hbm>>) dst(%dma_wait3A_124 : memref<128x32xf32, #tpu.memory_space<vmem>>)
    %dma_wait3A_131 = arith.constant 2 : i32
    %dma_wait3A_132 = arith.constant 256 : i32
    %dma_wait3A_133 = arith.constant 0 : i32
    %dma_wait3A_134 = tpu.memref_slice %arg11[%dma_wait3A_132, %dma_wait3A_133] : memref<512x32xf32, #tpu.memory_space<vmem>> -> memref<128x32xf32, #tpu.memory_space<vmem>>
    %dma_wait3A_135 = arith.constant 0 : i32
    %dma_wait3A_136 = tpu.memref_slice %arg9[%dma_wait3A_131, %dma_wait3A_135] : memref<4x128xi32, #tpu.memory_space<vmem>> -> memref<1x128xi32, #tpu.memory_space<vmem>>
    %dma_wait3A_137 = tpu.memref_squeeze %dma_wait3A_136 : memref<1x128xi32, #tpu.memory_space<vmem>> -> memref<128xi32, #tpu.memory_space<vmem>>
    %dma_wait3A_138 = arith.constant 0 : i32
    %dma_wait3A_139 = arith.constant 0 : i32
    %dma_wait3A_140 = tpu.memref_slice %arg3[%dma_wait3A_138, %dma_wait3A_139] : memref<1000000x32xf32, #tpu.memory_space<hbm>> -> memref<1000000x32xf32, #tpu.memory_space<hbm>>
    tpu.wait_indirect_dma semaphore(%arg12 : memref<!tpu.dma_semaphore, #tpu.memory_space<semaphore_mem>>) src(%dma_wait3A_140 : memref<1000000x32xf32, #tpu.memory_space<hbm>>) dst(%dma_wait3A_134 : memref<128x32xf32, #tpu.memory_space<vmem>>)
    %dma_wait3A_141 = arith.constant 3 : i32
    %dma_wait3A_142 = arith.constant 384 : i32
    %dma_wait3A_143 = arith.constant 0 : i32
    %dma_wait3A_144 = tpu.memref_slice %arg10[%dma_wait3A_142, %dma_wait3A_143] : memref<512x32xf32, #tpu.memory_space<vmem>> -> memref<128x32xf32, #tpu.memory_space<vmem>>
    %dma_wait3A_145 = arith.constant 0 : i32
    %dma_wait3A_146 = tpu.memref_slice %arg8[%dma_wait3A_141, %dma_wait3A_145] : memref<4x128xi32, #tpu.memory_space<vmem>> -> memref<1x128xi32, #tpu.memory_space<vmem>>
    %dma_wait3A_147 = tpu.memref_squeeze %dma_wait3A_146 : memref<1x128xi32, #tpu.memory_space<vmem>> -> memref<128xi32, #tpu.memory_space<vmem>>
    %dma_wait3A_148 = arith.constant 0 : i32
    %dma_wait3A_149 = arith.constant 0 : i32
    %dma_wait3A_150 = tpu.memref_slice %arg2[%dma_wait3A_148, %dma_wait3A_149] : memref<1000000x32xf32, #tpu.memory_space<hbm>> -> memref<1000000x32xf32, #tpu.memory_space<hbm>>
    tpu.wait_indirect_dma semaphore(%arg12 : memref<!tpu.dma_semaphore, #tpu.memory_space<semaphore_mem>>) src(%dma_wait3A_150 : memref<1000000x32xf32, #tpu.memory_space<hbm>>) dst(%dma_wait3A_144 : memref<128x32xf32, #tpu.memory_space<vmem>>)
    %dma_wait3A_151 = arith.constant 3 : i32
    %dma_wait3A_152 = arith.constant 384 : i32
    %dma_wait3A_153 = arith.constant 0 : i32
    %dma_wait3A_154 = tpu.memref_slice %arg11[%dma_wait3A_152, %dma_wait3A_153] : memref<512x32xf32, #tpu.memory_space<vmem>> -> memref<128x32xf32, #tpu.memory_space<vmem>>
    %dma_wait3A_155 = arith.constant 0 : i32
    %dma_wait3A_156 = tpu.memref_slice %arg9[%dma_wait3A_151, %dma_wait3A_155] : memref<4x128xi32, #tpu.memory_space<vmem>> -> memref<1x128xi32, #tpu.memory_space<vmem>>
    %dma_wait3A_157 = tpu.memref_squeeze %dma_wait3A_156 : memref<1x128xi32, #tpu.memory_space<vmem>> -> memref<128xi32, #tpu.memory_space<vmem>>
    %dma_wait3A_158 = arith.constant 0 : i32
    %dma_wait3A_159 = arith.constant 0 : i32
    %dma_wait3A_160 = tpu.memref_slice %arg3[%dma_wait3A_158, %dma_wait3A_159] : memref<1000000x32xf32, #tpu.memory_space<hbm>> -> memref<1000000x32xf32, #tpu.memory_space<hbm>>
    tpu.wait_indirect_dma semaphore(%arg12 : memref<!tpu.dma_semaphore, #tpu.memory_space<semaphore_mem>>) src(%dma_wait3A_160 : memref<1000000x32xf32, #tpu.memory_space<hbm>>) dst(%dma_wait3A_154 : memref<128x32xf32, #tpu.memory_space<vmem>>)
    %mul3A_161 = arith.constant 512 : i32
    %mul3A_162 = arith.muli %add3A, %mul3A_161 : i32
    "tpu.region"() ({
      %run_scoped3A = tpu.sem_alloc : memref<!tpu.dma_semaphore, #tpu.memory_space<semaphore_mem>>
      %dma_start3A_163 = arith.constant 0 : i32
      %dma_start3A_164 = tpu.memref_slice %arg6[%mul3A_162, %dma_start3A_163] : memref<16384x32xf32, #tpu.memory_space<hbm>> -> memref<512x32xf32, #tpu.memory_space<hbm>>
      %dma_start3A_165 = arith.constant 0 : i32
      %dma_start3A_166 = tpu.memref_slice %arg6[%mul3A_162, %dma_start3A_165] : memref<16384x32xf32, #tpu.memory_space<hbm>> -> memref<512x32xf32, #tpu.memory_space<hbm>>
      tpu.enqueue_dma source(%arg10 : memref<512x32xf32, #tpu.memory_space<vmem>>) target(%dma_start3A_166 : memref<512x32xf32, #tpu.memory_space<hbm>>) target_semaphore(%run_scoped3A : memref<!tpu.dma_semaphore, #tpu.memory_space<semaphore_mem>>)
      %dma_wait3A_167 = arith.constant 0 : i32
      %dma_wait3A_168 = tpu.memref_slice %arg6[%mul3A_162, %dma_wait3A_167] : memref<16384x32xf32, #tpu.memory_space<hbm>> -> memref<512x32xf32, #tpu.memory_space<hbm>>
      %dma_wait3A_169 = arith.constant 0 : i32
      %dma_wait3A_170 = tpu.memref_slice %arg6[%mul3A_162, %dma_wait3A_169] : memref<16384x32xf32, #tpu.memory_space<hbm>> -> memref<512x32xf32, #tpu.memory_space<hbm>>
      tpu.wait_dma2 semaphore(%run_scoped3A : memref<!tpu.dma_semaphore, #tpu.memory_space<semaphore_mem>>) src(%arg10 : memref<512x32xf32, #tpu.memory_space<vmem>>) dst(%dma_wait3A_170 : memref<512x32xf32, #tpu.memory_space<hbm>>)
      tpu.yield
    }) : () -> ()
    "tpu.region"() ({
      %run_scoped3A = tpu.sem_alloc : memref<!tpu.dma_semaphore, #tpu.memory_space<semaphore_mem>>
      %dma_start3A_163 = arith.constant 0 : i32
      %dma_start3A_164 = tpu.memref_slice %arg7[%mul3A_162, %dma_start3A_163] : memref<16384x32xf32, #tpu.memory_space<hbm>> -> memref<512x32xf32, #tpu.memory_space<hbm>>
      %dma_start3A_165 = arith.constant 0 : i32
      %dma_start3A_166 = tpu.memref_slice %arg7[%mul3A_162, %dma_start3A_165] : memref<16384x32xf32, #tpu.memory_space<hbm>> -> memref<512x32xf32, #tpu.memory_space<hbm>>
      tpu.enqueue_dma source(%arg11 : memref<512x32xf32, #tpu.memory_space<vmem>>) target(%dma_start3A_166 : memref<512x32xf32, #tpu.memory_space<hbm>>) target_semaphore(%run_scoped3A : memref<!tpu.dma_semaphore, #tpu.memory_space<semaphore_mem>>)
      %dma_wait3A_167 = arith.constant 0 : i32
      %dma_wait3A_168 = tpu.memref_slice %arg7[%mul3A_162, %dma_wait3A_167] : memref<16384x32xf32, #tpu.memory_space<hbm>> -> memref<512x32xf32, #tpu.memory_space<hbm>>
      %dma_wait3A_169 = arith.constant 0 : i32
      %dma_wait3A_170 = tpu.memref_slice %arg7[%mul3A_162, %dma_wait3A_169] : memref<16384x32xf32, #tpu.memory_space<hbm>> -> memref<512x32xf32, #tpu.memory_space<hbm>>
      tpu.wait_dma2 semaphore(%run_scoped3A : memref<!tpu.dma_semaphore, #tpu.memory_space<semaphore_mem>>) src(%arg11 : memref<512x32xf32, #tpu.memory_space<vmem>>) dst(%dma_wait3A_170 : memref<512x32xf32, #tpu.memory_space<hbm>>)
      tpu.yield
    }) : () -> ()
    return
  }
}

#map = affine_map<(d0, d1) -> (0, 0)>
#map1 = affine_map<(d0, d1) -> (0)>
module attributes {stable_mosaic.version = 14 : i64} {
  func.func @detile_k(%arg0: i32, %arg1: i32, %arg2: memref<32x1000000xf32, #tpu.memory_space<hbm>>, %arg3: memref<32x1000000xf32, #tpu.memory_space<hbm>>, %arg4: memref<2048xf32, #tpu.memory_space<hbm>>, %arg5: memref<2048xf32, #tpu.memory_space<hbm>>, %arg6: memref<32000000xf32, #tpu.memory_space<hbm>>, %arg7: memref<32000000xf32, #tpu.memory_space<hbm>>, %arg8: memref<32x768xf32, #tpu.memory_space<vmem>>, %arg9: memref<32x768xf32, #tpu.memory_space<vmem>>, %arg10: memref<24576xf32, #tpu.memory_space<vmem>>, %arg11: memref<24576xf32, #tpu.memory_space<vmem>>, %arg12: memref<!tpu.dma_semaphore, #tpu.memory_space<semaphore_mem>>, %arg13: memref<!tpu.dma_semaphore, #tpu.memory_space<semaphore_mem>>, %arg14: memref<!tpu.dma_semaphore, #tpu.memory_space<semaphore_mem>>, %arg15: memref<!tpu.dma_semaphore, #tpu.memory_space<semaphore_mem>>) attributes {dimension_semantics = [#tpu.dimension_semantics<core_parallel>, #tpu.dimension_semantics<subcore_parallel>], iteration_bounds = array<i64: 2, 16>, scalar_prefetch = 0 : i64, scratch_operands = 8 : i64, tpu.core_type = #tpu.core_type<sc_vector_subcore>, window_params = [{transform_indices = #map}, {transform_indices = #map}, {transform_indices = #map1}, {transform_indices = #map1}, {transform_indices = #map1}, {transform_indices = #map1}]} {
    %mul3A = arith.constant 2 : i32
    %mul3A_0 = arith.muli %arg1, %mul3A : i32
    %add3A = arith.addi %mul3A_0, %arg0 : i32
    %sub3A = arith.constant 22 : i32
    %sub3A_1 = arith.subi %sub3A, %add3A : i32
    %max3A = arith.constant 0 : i32
    %max3A_2 = arith.maxsi %sub3A_1, %max3A : i32
    %min3A = arith.constant 1 : i32
    %min3A_3 = arith.minsi %max3A_2, %min3A : i32
    %add3A_4 = arith.constant 40 : i32
    %add3A_5 = arith.addi %add3A_4, %min3A_3 : i32
    %iota3A = tpu.iota {dimensions = array<i32: 0>} : vector<16xi32>
    %add3A_6 = arith.constant 0 : i32
    %add3A_7 = vector.broadcast %add3A_6 : i32 to vector<16xi32>
    %add3A_8 = arith.addi %add3A_7, %iota3A : vector<16xi32>
    %and3A = arith.constant 15 : i32
    %and3A_9 = vector.broadcast %and3A : i32 to vector<16xi32>
    %and3A_10 = arith.andi %add3A_8, %and3A_9 : vector<16xi32>
    %add3A_11 = arith.constant 0 : i32
    %add3A_12 = vector.broadcast %add3A_11 : i32 to vector<16xi32>
    %add3A_13 = arith.addi %add3A_12, %and3A_10 : vector<16xi32>
    %add3A_14 = arith.constant 1 : i32
    %add3A_15 = vector.broadcast %add3A_14 : i32 to vector<16xi32>
    %add3A_16 = arith.addi %add3A_15, %iota3A : vector<16xi32>
    %and3A_17 = arith.constant 15 : i32
    %and3A_18 = vector.broadcast %and3A_17 : i32 to vector<16xi32>
    %and3A_19 = arith.andi %add3A_16, %and3A_18 : vector<16xi32>
    %add3A_20 = arith.constant 0 : i32
    %add3A_21 = vector.broadcast %add3A_20 : i32 to vector<16xi32>
    %add3A_22 = arith.addi %add3A_21, %and3A_19 : vector<16xi32>
    %add3A_23 = arith.constant 2 : i32
    %add3A_24 = vector.broadcast %add3A_23 : i32 to vector<16xi32>
    %add3A_25 = arith.addi %add3A_24, %iota3A : vector<16xi32>
    %and3A_26 = arith.constant 15 : i32
    %and3A_27 = vector.broadcast %and3A_26 : i32 to vector<16xi32>
    %and3A_28 = arith.andi %add3A_25, %and3A_27 : vector<16xi32>
    %add3A_29 = arith.constant 0 : i32
    %add3A_30 = vector.broadcast %add3A_29 : i32 to vector<16xi32>
    %add3A_31 = arith.addi %add3A_30, %and3A_28 : vector<16xi32>
    %add3A_32 = arith.constant 3 : i32
    %add3A_33 = vector.broadcast %add3A_32 : i32 to vector<16xi32>
    %add3A_34 = arith.addi %add3A_33, %iota3A : vector<16xi32>
    %and3A_35 = arith.constant 15 : i32
    %and3A_36 = vector.broadcast %and3A_35 : i32 to vector<16xi32>
    %and3A_37 = arith.andi %add3A_34, %and3A_36 : vector<16xi32>
    %add3A_38 = arith.constant 0 : i32
    %add3A_39 = vector.broadcast %add3A_38 : i32 to vector<16xi32>
    %add3A_40 = arith.addi %add3A_39, %and3A_37 : vector<16xi32>
    %add3A_41 = arith.constant 4 : i32
    %add3A_42 = vector.broadcast %add3A_41 : i32 to vector<16xi32>
    %add3A_43 = arith.addi %add3A_42, %iota3A : vector<16xi32>
    %and3A_44 = arith.constant 15 : i32
    %and3A_45 = vector.broadcast %and3A_44 : i32 to vector<16xi32>
    %and3A_46 = arith.andi %add3A_43, %and3A_45 : vector<16xi32>
    %add3A_47 = arith.constant 0 : i32
    %add3A_48 = vector.broadcast %add3A_47 : i32 to vector<16xi32>
    %add3A_49 = arith.addi %add3A_48, %and3A_46 : vector<16xi32>
    %add3A_50 = arith.constant 5 : i32
    %add3A_51 = vector.broadcast %add3A_50 : i32 to vector<16xi32>
    %add3A_52 = arith.addi %add3A_51, %iota3A : vector<16xi32>
    %and3A_53 = arith.constant 15 : i32
    %and3A_54 = vector.broadcast %and3A_53 : i32 to vector<16xi32>
    %and3A_55 = arith.andi %add3A_52, %and3A_54 : vector<16xi32>
    %add3A_56 = arith.constant 0 : i32
    %add3A_57 = vector.broadcast %add3A_56 : i32 to vector<16xi32>
    %add3A_58 = arith.addi %add3A_57, %and3A_55 : vector<16xi32>
    %add3A_59 = arith.constant 6 : i32
    %add3A_60 = vector.broadcast %add3A_59 : i32 to vector<16xi32>
    %add3A_61 = arith.addi %add3A_60, %iota3A : vector<16xi32>
    %and3A_62 = arith.constant 15 : i32
    %and3A_63 = vector.broadcast %and3A_62 : i32 to vector<16xi32>
    %and3A_64 = arith.andi %add3A_61, %and3A_63 : vector<16xi32>
    %add3A_65 = arith.constant 0 : i32
    %add3A_66 = vector.broadcast %add3A_65 : i32 to vector<16xi32>
    %add3A_67 = arith.addi %add3A_66, %and3A_64 : vector<16xi32>
    %add3A_68 = arith.constant 7 : i32
    %add3A_69 = vector.broadcast %add3A_68 : i32 to vector<16xi32>
    %add3A_70 = arith.addi %add3A_69, %iota3A : vector<16xi32>
    %and3A_71 = arith.constant 15 : i32
    %and3A_72 = vector.broadcast %and3A_71 : i32 to vector<16xi32>
    %and3A_73 = arith.andi %add3A_70, %and3A_72 : vector<16xi32>
    %add3A_74 = arith.constant 0 : i32
    %add3A_75 = vector.broadcast %add3A_74 : i32 to vector<16xi32>
    %add3A_76 = arith.addi %add3A_75, %and3A_73 : vector<16xi32>
    %add3A_77 = arith.constant 8 : i32
    %add3A_78 = vector.broadcast %add3A_77 : i32 to vector<16xi32>
    %add3A_79 = arith.addi %add3A_78, %iota3A : vector<16xi32>
    %and3A_80 = arith.constant 15 : i32
    %and3A_81 = vector.broadcast %and3A_80 : i32 to vector<16xi32>
    %and3A_82 = arith.andi %add3A_79, %and3A_81 : vector<16xi32>
    %add3A_83 = arith.constant 0 : i32
    %add3A_84 = vector.broadcast %add3A_83 : i32 to vector<16xi32>
    %add3A_85 = arith.addi %add3A_84, %and3A_82 : vector<16xi32>
    %add3A_86 = arith.constant 9 : i32
    %add3A_87 = vector.broadcast %add3A_86 : i32 to vector<16xi32>
    %add3A_88 = arith.addi %add3A_87, %iota3A : vector<16xi32>
    %and3A_89 = arith.constant 15 : i32
    %and3A_90 = vector.broadcast %and3A_89 : i32 to vector<16xi32>
    %and3A_91 = arith.andi %add3A_88, %and3A_90 : vector<16xi32>
    %add3A_92 = arith.constant 0 : i32
    %add3A_93 = vector.broadcast %add3A_92 : i32 to vector<16xi32>
    %add3A_94 = arith.addi %add3A_93, %and3A_91 : vector<16xi32>
    %add3A_95 = arith.constant 10 : i32
    %add3A_96 = vector.broadcast %add3A_95 : i32 to vector<16xi32>
    %add3A_97 = arith.addi %add3A_96, %iota3A : vector<16xi32>
    %and3A_98 = arith.constant 15 : i32
    %and3A_99 = vector.broadcast %and3A_98 : i32 to vector<16xi32>
    %and3A_100 = arith.andi %add3A_97, %and3A_99 : vector<16xi32>
    %add3A_101 = arith.constant 0 : i32
    %add3A_102 = vector.broadcast %add3A_101 : i32 to vector<16xi32>
    %add3A_103 = arith.addi %add3A_102, %and3A_100 : vector<16xi32>
    %add3A_104 = arith.constant 11 : i32
    %add3A_105 = vector.broadcast %add3A_104 : i32 to vector<16xi32>
    %add3A_106 = arith.addi %add3A_105, %iota3A : vector<16xi32>
    %and3A_107 = arith.constant 15 : i32
    %and3A_108 = vector.broadcast %and3A_107 : i32 to vector<16xi32>
    %and3A_109 = arith.andi %add3A_106, %and3A_108 : vector<16xi32>
    %add3A_110 = arith.constant 0 : i32
    %add3A_111 = vector.broadcast %add3A_110 : i32 to vector<16xi32>
    %add3A_112 = arith.addi %add3A_111, %and3A_109 : vector<16xi32>
    %add3A_113 = arith.constant 12 : i32
    %add3A_114 = vector.broadcast %add3A_113 : i32 to vector<16xi32>
    %add3A_115 = arith.addi %add3A_114, %iota3A : vector<16xi32>
    %and3A_116 = arith.constant 15 : i32
    %and3A_117 = vector.broadcast %and3A_116 : i32 to vector<16xi32>
    %and3A_118 = arith.andi %add3A_115, %and3A_117 : vector<16xi32>
    %add3A_119 = arith.constant 0 : i32
    %add3A_120 = vector.broadcast %add3A_119 : i32 to vector<16xi32>
    %add3A_121 = arith.addi %add3A_120, %and3A_118 : vector<16xi32>
    %add3A_122 = arith.constant 13 : i32
    %add3A_123 = vector.broadcast %add3A_122 : i32 to vector<16xi32>
    %add3A_124 = arith.addi %add3A_123, %iota3A : vector<16xi32>
    %and3A_125 = arith.constant 15 : i32
    %and3A_126 = vector.broadcast %and3A_125 : i32 to vector<16xi32>
    %and3A_127 = arith.andi %add3A_124, %and3A_126 : vector<16xi32>
    %add3A_128 = arith.constant 0 : i32
    %add3A_129 = vector.broadcast %add3A_128 : i32 to vector<16xi32>
    %add3A_130 = arith.addi %add3A_129, %and3A_127 : vector<16xi32>
    %add3A_131 = arith.constant 14 : i32
    %add3A_132 = vector.broadcast %add3A_131 : i32 to vector<16xi32>
    %add3A_133 = arith.addi %add3A_132, %iota3A : vector<16xi32>
    %and3A_134 = arith.constant 15 : i32
    %and3A_135 = vector.broadcast %and3A_134 : i32 to vector<16xi32>
    %and3A_136 = arith.andi %add3A_133, %and3A_135 : vector<16xi32>
    %add3A_137 = arith.constant 0 : i32
    %add3A_138 = vector.broadcast %add3A_137 : i32 to vector<16xi32>
    %add3A_139 = arith.addi %add3A_138, %and3A_136 : vector<16xi32>
    %add3A_140 = arith.constant 15 : i32
    %add3A_141 = vector.broadcast %add3A_140 : i32 to vector<16xi32>
    %add3A_142 = arith.addi %add3A_141, %iota3A : vector<16xi32>
    %and3A_143 = arith.constant 15 : i32
    %and3A_144 = vector.broadcast %and3A_143 : i32 to vector<16xi32>
    %and3A_145 = arith.andi %add3A_142, %and3A_144 : vector<16xi32>
    %add3A_146 = arith.constant 0 : i32
    %add3A_147 = vector.broadcast %add3A_146 : i32 to vector<16xi32>
    %add3A_148 = arith.addi %add3A_147, %and3A_145 : vector<16xi32>
    %add3A_149 = arith.constant 0 : i32
    %add3A_150 = vector.broadcast %add3A_149 : i32 to vector<16xi32>
    %add3A_151 = arith.addi %add3A_150, %iota3A : vector<16xi32>
    %and3A_152 = arith.constant 15 : i32
    %and3A_153 = vector.broadcast %and3A_152 : i32 to vector<16xi32>
    %and3A_154 = arith.andi %add3A_151, %and3A_153 : vector<16xi32>
    %add3A_155 = arith.constant 16 : i32
    %add3A_156 = vector.broadcast %add3A_155 : i32 to vector<16xi32>
    %add3A_157 = arith.addi %add3A_156, %and3A_154 : vector<16xi32>
    %add3A_158 = arith.constant 1 : i32
    %add3A_159 = vector.broadcast %add3A_158 : i32 to vector<16xi32>
    %add3A_160 = arith.addi %add3A_159, %iota3A : vector<16xi32>
    %and3A_161 = arith.constant 15 : i32
    %and3A_162 = vector.broadcast %and3A_161 : i32 to vector<16xi32>
    %and3A_163 = arith.andi %add3A_160, %and3A_162 : vector<16xi32>
    %add3A_164 = arith.constant 16 : i32
    %add3A_165 = vector.broadcast %add3A_164 : i32 to vector<16xi32>
    %add3A_166 = arith.addi %add3A_165, %and3A_163 : vector<16xi32>
    %add3A_167 = arith.constant 2 : i32
    %add3A_168 = vector.broadcast %add3A_167 : i32 to vector<16xi32>
    %add3A_169 = arith.addi %add3A_168, %iota3A : vector<16xi32>
    %and3A_170 = arith.constant 15 : i32
    %and3A_171 = vector.broadcast %and3A_170 : i32 to vector<16xi32>
    %and3A_172 = arith.andi %add3A_169, %and3A_171 : vector<16xi32>
    %add3A_173 = arith.constant 16 : i32
    %add3A_174 = vector.broadcast %add3A_173 : i32 to vector<16xi32>
    %add3A_175 = arith.addi %add3A_174, %and3A_172 : vector<16xi32>
    %add3A_176 = arith.constant 3 : i32
    %add3A_177 = vector.broadcast %add3A_176 : i32 to vector<16xi32>
    %add3A_178 = arith.addi %add3A_177, %iota3A : vector<16xi32>
    %and3A_179 = arith.constant 15 : i32
    %and3A_180 = vector.broadcast %and3A_179 : i32 to vector<16xi32>
    %and3A_181 = arith.andi %add3A_178, %and3A_180 : vector<16xi32>
    %add3A_182 = arith.constant 16 : i32
    %add3A_183 = vector.broadcast %add3A_182 : i32 to vector<16xi32>
    %add3A_184 = arith.addi %add3A_183, %and3A_181 : vector<16xi32>
    %add3A_185 = arith.constant 4 : i32
    %add3A_186 = vector.broadcast %add3A_185 : i32 to vector<16xi32>
    %add3A_187 = arith.addi %add3A_186, %iota3A : vector<16xi32>
    %and3A_188 = arith.constant 15 : i32
    %and3A_189 = vector.broadcast %and3A_188 : i32 to vector<16xi32>
    %and3A_190 = arith.andi %add3A_187, %and3A_189 : vector<16xi32>
    %add3A_191 = arith.constant 16 : i32
    %add3A_192 = vector.broadcast %add3A_191 : i32 to vector<16xi32>
    %add3A_193 = arith.addi %add3A_192, %and3A_190 : vector<16xi32>
    %add3A_194 = arith.constant 5 : i32
    %add3A_195 = vector.broadcast %add3A_194 : i32 to vector<16xi32>
    %add3A_196 = arith.addi %add3A_195, %iota3A : vector<16xi32>
    %and3A_197 = arith.constant 15 : i32
    %and3A_198 = vector.broadcast %and3A_197 : i32 to vector<16xi32>
    %and3A_199 = arith.andi %add3A_196, %and3A_198 : vector<16xi32>
    %add3A_200 = arith.constant 16 : i32
    %add3A_201 = vector.broadcast %add3A_200 : i32 to vector<16xi32>
    %add3A_202 = arith.addi %add3A_201, %and3A_199 : vector<16xi32>
    %add3A_203 = arith.constant 6 : i32
    %add3A_204 = vector.broadcast %add3A_203 : i32 to vector<16xi32>
    %add3A_205 = arith.addi %add3A_204, %iota3A : vector<16xi32>
    %and3A_206 = arith.constant 15 : i32
    %and3A_207 = vector.broadcast %and3A_206 : i32 to vector<16xi32>
    %and3A_208 = arith.andi %add3A_205, %and3A_207 : vector<16xi32>
    %add3A_209 = arith.constant 16 : i32
    %add3A_210 = vector.broadcast %add3A_209 : i32 to vector<16xi32>
    %add3A_211 = arith.addi %add3A_210, %and3A_208 : vector<16xi32>
    %add3A_212 = arith.constant 7 : i32
    %add3A_213 = vector.broadcast %add3A_212 : i32 to vector<16xi32>
    %add3A_214 = arith.addi %add3A_213, %iota3A : vector<16xi32>
    %and3A_215 = arith.constant 15 : i32
    %and3A_216 = vector.broadcast %and3A_215 : i32 to vector<16xi32>
    %and3A_217 = arith.andi %add3A_214, %and3A_216 : vector<16xi32>
    %add3A_218 = arith.constant 16 : i32
    %add3A_219 = vector.broadcast %add3A_218 : i32 to vector<16xi32>
    %add3A_220 = arith.addi %add3A_219, %and3A_217 : vector<16xi32>
    %add3A_221 = arith.constant 8 : i32
    %add3A_222 = vector.broadcast %add3A_221 : i32 to vector<16xi32>
    %add3A_223 = arith.addi %add3A_222, %iota3A : vector<16xi32>
    %and3A_224 = arith.constant 15 : i32
    %and3A_225 = vector.broadcast %and3A_224 : i32 to vector<16xi32>
    %and3A_226 = arith.andi %add3A_223, %and3A_225 : vector<16xi32>
    %add3A_227 = arith.constant 16 : i32
    %add3A_228 = vector.broadcast %add3A_227 : i32 to vector<16xi32>
    %add3A_229 = arith.addi %add3A_228, %and3A_226 : vector<16xi32>
    %add3A_230 = arith.constant 9 : i32
    %add3A_231 = vector.broadcast %add3A_230 : i32 to vector<16xi32>
    %add3A_232 = arith.addi %add3A_231, %iota3A : vector<16xi32>
    %and3A_233 = arith.constant 15 : i32
    %and3A_234 = vector.broadcast %and3A_233 : i32 to vector<16xi32>
    %and3A_235 = arith.andi %add3A_232, %and3A_234 : vector<16xi32>
    %add3A_236 = arith.constant 16 : i32
    %add3A_237 = vector.broadcast %add3A_236 : i32 to vector<16xi32>
    %add3A_238 = arith.addi %add3A_237, %and3A_235 : vector<16xi32>
    %add3A_239 = arith.constant 10 : i32
    %add3A_240 = vector.broadcast %add3A_239 : i32 to vector<16xi32>
    %add3A_241 = arith.addi %add3A_240, %iota3A : vector<16xi32>
    %and3A_242 = arith.constant 15 : i32
    %and3A_243 = vector.broadcast %and3A_242 : i32 to vector<16xi32>
    %and3A_244 = arith.andi %add3A_241, %and3A_243 : vector<16xi32>
    %add3A_245 = arith.constant 16 : i32
    %add3A_246 = vector.broadcast %add3A_245 : i32 to vector<16xi32>
    %add3A_247 = arith.addi %add3A_246, %and3A_244 : vector<16xi32>
    %add3A_248 = arith.constant 11 : i32
    %add3A_249 = vector.broadcast %add3A_248 : i32 to vector<16xi32>
    %add3A_250 = arith.addi %add3A_249, %iota3A : vector<16xi32>
    %and3A_251 = arith.constant 15 : i32
    %and3A_252 = vector.broadcast %and3A_251 : i32 to vector<16xi32>
    %and3A_253 = arith.andi %add3A_250, %and3A_252 : vector<16xi32>
    %add3A_254 = arith.constant 16 : i32
    %add3A_255 = vector.broadcast %add3A_254 : i32 to vector<16xi32>
    %add3A_256 = arith.addi %add3A_255, %and3A_253 : vector<16xi32>
    %add3A_257 = arith.constant 12 : i32
    %add3A_258 = vector.broadcast %add3A_257 : i32 to vector<16xi32>
    %add3A_259 = arith.addi %add3A_258, %iota3A : vector<16xi32>
    %and3A_260 = arith.constant 15 : i32
    %and3A_261 = vector.broadcast %and3A_260 : i32 to vector<16xi32>
    %and3A_262 = arith.andi %add3A_259, %and3A_261 : vector<16xi32>
    %add3A_263 = arith.constant 16 : i32
    %add3A_264 = vector.broadcast %add3A_263 : i32 to vector<16xi32>
    %add3A_265 = arith.addi %add3A_264, %and3A_262 : vector<16xi32>
    %add3A_266 = arith.constant 13 : i32
    %add3A_267 = vector.broadcast %add3A_266 : i32 to vector<16xi32>
    %add3A_268 = arith.addi %add3A_267, %iota3A : vector<16xi32>
    %and3A_269 = arith.constant 15 : i32
    %and3A_270 = vector.broadcast %and3A_269 : i32 to vector<16xi32>
    %and3A_271 = arith.andi %add3A_268, %and3A_270 : vector<16xi32>
    %add3A_272 = arith.constant 16 : i32
    %add3A_273 = vector.broadcast %add3A_272 : i32 to vector<16xi32>
    %add3A_274 = arith.addi %add3A_273, %and3A_271 : vector<16xi32>
    %add3A_275 = arith.constant 14 : i32
    %add3A_276 = vector.broadcast %add3A_275 : i32 to vector<16xi32>
    %add3A_277 = arith.addi %add3A_276, %iota3A : vector<16xi32>
    %and3A_278 = arith.constant 15 : i32
    %and3A_279 = vector.broadcast %and3A_278 : i32 to vector<16xi32>
    %and3A_280 = arith.andi %add3A_277, %and3A_279 : vector<16xi32>
    %add3A_281 = arith.constant 16 : i32
    %add3A_282 = vector.broadcast %add3A_281 : i32 to vector<16xi32>
    %add3A_283 = arith.addi %add3A_282, %and3A_280 : vector<16xi32>
    %add3A_284 = arith.constant 15 : i32
    %add3A_285 = vector.broadcast %add3A_284 : i32 to vector<16xi32>
    %add3A_286 = arith.addi %add3A_285, %iota3A : vector<16xi32>
    %and3A_287 = arith.constant 15 : i32
    %and3A_288 = vector.broadcast %and3A_287 : i32 to vector<16xi32>
    %and3A_289 = arith.andi %add3A_286, %and3A_288 : vector<16xi32>
    %add3A_290 = arith.constant 16 : i32
    %add3A_291 = vector.broadcast %add3A_290 : i32 to vector<16xi32>
    %add3A_292 = arith.addi %add3A_291, %and3A_289 : vector<16xi32>
    %gt3A = arith.constant 0 : i32
    %gt3A_293 = arith.cmpi sgt, %add3A_5, %gt3A : i32
    %convert_element_type3A = arith.extui %gt3A_293 : i1 to i32
    %cond3A = arith.constant 0 : i32
    %cond3A_294 = arith.cmpi ne, %convert_element_type3A, %cond3A : i32
    scf.if %cond3A_294 {
      %add3A_340 = arith.constant 0 : i32
      %add3A_341 = arith.addi %add3A, %add3A_340 : i32
      %mul3A_342 = arith.constant 768 : i32
      %mul3A_343 = arith.muli %add3A_341, %mul3A_342 : i32
      %dma_start3A = arith.constant 0 : i32
      %dma_start3A_344 = tpu.memref_slice %arg2[%dma_start3A, %mul3A_343] : memref<32x1000000xf32, #tpu.memory_space<hbm>> -> memref<32x768xf32, #tpu.memory_space<hbm>>
      %dma_start3A_345 = arith.constant 0 : i32
      %dma_start3A_346 = tpu.memref_slice %arg2[%dma_start3A_345, %mul3A_343] : memref<32x1000000xf32, #tpu.memory_space<hbm>> -> memref<32x768xf32, #tpu.memory_space<hbm>>
      tpu.enqueue_dma source(%dma_start3A_346 : memref<32x768xf32, #tpu.memory_space<hbm>>) target(%arg8 : memref<32x768xf32, #tpu.memory_space<vmem>>) target_semaphore(%arg12 : memref<!tpu.dma_semaphore, #tpu.memory_space<semaphore_mem>>)
    } else {
    }
    %scan3A = arith.constant 0 : i32
    %scan3A_295 = arith.constant 0 : i32
    %scan3A_296 = arith.constant 21 : i32
    %scan3A_297 = arith.addi %scan3A_295, %scan3A_296 : i32
    %scan3A_298 = arith.constant 1 : i32
    scf.for %scan3A_340 = %scan3A_295 to %scan3A_297 step %scan3A_298  : i32 {
      %mul3A_341 = arith.constant 2 : i32
      %mul3A_342 = arith.muli %mul3A_341, %scan3A_340 : i32
      %mul3A_343 = arith.constant 2 : i32
      %mul3A_344 = arith.muli %mul3A_343, %scan3A_340 : i32
      %add3A_345 = arith.constant 1 : i32
      %add3A_346 = arith.addi %mul3A_344, %add3A_345 : i32
      %lt3A = arith.cmpi slt, %add3A_346, %add3A_5 : i32
      %convert_element_type3A_347 = arith.extui %lt3A : i1 to i32
      %cond3A_348 = arith.constant 0 : i32
      %cond3A_349 = arith.cmpi ne, %convert_element_type3A_347, %cond3A_348 : i32
      scf.if %cond3A_349 {
        %mul3A_364 = arith.constant 32 : i32
        %mul3A_365 = arith.muli %add3A_346, %mul3A_364 : i32
        %add3A_366 = arith.addi %add3A, %mul3A_365 : i32
        %mul3A_367 = arith.constant 768 : i32
        %mul3A_368 = arith.muli %add3A_366, %mul3A_367 : i32
        %dma_start3A = arith.constant 0 : i32
        %dma_start3A_369 = tpu.memref_slice %arg2[%dma_start3A, %mul3A_368] : memref<32x1000000xf32, #tpu.memory_space<hbm>> -> memref<32x768xf32, #tpu.memory_space<hbm>>
        %dma_start3A_370 = arith.constant 0 : i32
        %dma_start3A_371 = tpu.memref_slice %arg2[%dma_start3A_370, %mul3A_368] : memref<32x1000000xf32, #tpu.memory_space<hbm>> -> memref<32x768xf32, #tpu.memory_space<hbm>>
        tpu.enqueue_dma source(%dma_start3A_371 : memref<32x768xf32, #tpu.memory_space<hbm>>) target(%arg9 : memref<32x768xf32, #tpu.memory_space<vmem>>) target_semaphore(%arg13 : memref<!tpu.dma_semaphore, #tpu.memory_space<semaphore_mem>>)
      } else {
      }
      %lt3A_350 = arith.cmpi slt, %mul3A_342, %add3A_5 : i32
      %convert_element_type3A_351 = arith.extui %lt3A_350 : i1 to i32
      %cond3A_352 = arith.constant 0 : i32
      %cond3A_353 = arith.cmpi ne, %convert_element_type3A_351, %cond3A_352 : i32
      scf.if %cond3A_353 {
        %mul3A_364 = arith.constant 32 : i32
        %mul3A_365 = arith.muli %mul3A_342, %mul3A_364 : i32
        %add3A_366 = arith.addi %add3A, %mul3A_365 : i32
        %dma_wait3A = arith.constant 0 : i32
        %dma_wait3A_367 = arith.constant 0 : i32
        %dma_wait3A_368 = tpu.memref_slice %arg2[%dma_wait3A, %dma_wait3A_367] : memref<32x1000000xf32, #tpu.memory_space<hbm>> -> memref<32x768xf32, #tpu.memory_space<hbm>>
        %dma_wait3A_369 = arith.constant 0 : i32
        %dma_wait3A_370 = arith.constant 0 : i32
        %dma_wait3A_371 = tpu.memref_slice %arg2[%dma_wait3A_369, %dma_wait3A_370] : memref<32x1000000xf32, #tpu.memory_space<hbm>> -> memref<32x768xf32, #tpu.memory_space<hbm>>
        tpu.wait_dma2 semaphore(%arg12 : memref<!tpu.dma_semaphore, #tpu.memory_space<semaphore_mem>>) src(%dma_wait3A_371 : memref<32x768xf32, #tpu.memory_space<hbm>>) dst(%arg8 : memref<32x768xf32, #tpu.memory_space<vmem>>)
        %ge3A = arith.constant 2 : i32
        %ge3A_372 = arith.cmpi sge, %mul3A_342, %ge3A : i32
        %convert_element_type3A_373 = arith.extui %ge3A_372 : i1 to i32
        %cond3A_374 = arith.constant 0 : i32
        %cond3A_375 = arith.cmpi ne, %convert_element_type3A_373, %cond3A_374 : i32
        scf.if %cond3A_375 {
          %dma_wait3A_381 = arith.constant 0 : i32
          %dma_wait3A_382 = tpu.memref_slice %arg6[%dma_wait3A_381] : memref<32000000xf32, #tpu.memory_space<hbm>> -> memref<24576xf32, #tpu.memory_space<hbm>>
          %dma_wait3A_383 = arith.constant 0 : i32
          %dma_wait3A_384 = tpu.memref_slice %arg6[%dma_wait3A_383] : memref<32000000xf32, #tpu.memory_space<hbm>> -> memref<24576xf32, #tpu.memory_space<hbm>>
          tpu.wait_dma2 semaphore(%arg14 : memref<!tpu.dma_semaphore, #tpu.memory_space<semaphore_mem>>) src(%dma_wait3A_384 : memref<24576xf32, #tpu.memory_space<hbm>>) dst(%arg10 : memref<24576xf32, #tpu.memory_space<vmem>>)
        } else {
        }
        %mul3A_376 = arith.constant 768 : i32
        %mul3A_377 = arith.muli %add3A_366, %mul3A_376 : i32
        %mul3A_378 = arith.constant 32 : i32
        %mul3A_379 = arith.muli %mul3A_377, %mul3A_378 : i32
        %dma_start3A = tpu.memref_slice %arg6[%mul3A_379] : memref<32000000xf32, #tpu.memory_space<hbm>> -> memref<24576xf32, #tpu.memory_space<hbm>>
        %dma_start3A_380 = tpu.memref_slice %arg6[%mul3A_379] : memref<32000000xf32, #tpu.memory_space<hbm>> -> memref<24576xf32, #tpu.memory_space<hbm>>
        tpu.enqueue_dma source(%arg10 : memref<24576xf32, #tpu.memory_space<vmem>>) target(%dma_start3A_380 : memref<24576xf32, #tpu.memory_space<hbm>>) target_semaphore(%arg14 : memref<!tpu.dma_semaphore, #tpu.memory_space<semaphore_mem>>)
      } else {
      }
      %add3A_354 = arith.constant 1 : i32
      %add3A_355 = arith.addi %add3A_346, %add3A_354 : i32
      %lt3A_356 = arith.cmpi slt, %add3A_355, %add3A_5 : i32
      %convert_element_type3A_357 = arith.extui %lt3A_356 : i1 to i32
      %cond3A_358 = arith.constant 0 : i32
      %cond3A_359 = arith.cmpi ne, %convert_element_type3A_357, %cond3A_358 : i32
      scf.if %cond3A_359 {
        %mul3A_364 = arith.constant 32 : i32
        %mul3A_365 = arith.muli %add3A_355, %mul3A_364 : i32
        %add3A_366 = arith.addi %add3A, %mul3A_365 : i32
        %mul3A_367 = arith.constant 768 : i32
        %mul3A_368 = arith.muli %add3A_366, %mul3A_367 : i32
        %dma_start3A = arith.constant 0 : i32
        %dma_start3A_369 = tpu.memref_slice %arg2[%dma_start3A, %mul3A_368] : memref<32x1000000xf32, #tpu.memory_space<hbm>> -> memref<32x768xf32, #tpu.memory_space<hbm>>
        %dma_start3A_370 = arith.constant 0 : i32
        %dma_start3A_371 = tpu.memref_slice %arg2[%dma_start3A_370, %mul3A_368] : memref<32x1000000xf32, #tpu.memory_space<hbm>> -> memref<32x768xf32, #tpu.memory_space<hbm>>
        tpu.enqueue_dma source(%dma_start3A_371 : memref<32x768xf32, #tpu.memory_space<hbm>>) target(%arg8 : memref<32x768xf32, #tpu.memory_space<vmem>>) target_semaphore(%arg12 : memref<!tpu.dma_semaphore, #tpu.memory_space<semaphore_mem>>)
      } else {
      }
      %lt3A_360 = arith.cmpi slt, %add3A_346, %add3A_5 : i32
      %convert_element_type3A_361 = arith.extui %lt3A_360 : i1 to i32
      %cond3A_362 = arith.constant 0 : i32
      %cond3A_363 = arith.cmpi ne, %convert_element_type3A_361, %cond3A_362 : i32
      scf.if %cond3A_363 {
        %mul3A_364 = arith.constant 32 : i32
        %mul3A_365 = arith.muli %add3A_346, %mul3A_364 : i32
        %add3A_366 = arith.addi %add3A, %mul3A_365 : i32
        %dma_wait3A = arith.constant 0 : i32
        %dma_wait3A_367 = arith.constant 0 : i32
        %dma_wait3A_368 = tpu.memref_slice %arg2[%dma_wait3A, %dma_wait3A_367] : memref<32x1000000xf32, #tpu.memory_space<hbm>> -> memref<32x768xf32, #tpu.memory_space<hbm>>
        %dma_wait3A_369 = arith.constant 0 : i32
        %dma_wait3A_370 = arith.constant 0 : i32
        %dma_wait3A_371 = tpu.memref_slice %arg2[%dma_wait3A_369, %dma_wait3A_370] : memref<32x1000000xf32, #tpu.memory_space<hbm>> -> memref<32x768xf32, #tpu.memory_space<hbm>>
        tpu.wait_dma2 semaphore(%arg13 : memref<!tpu.dma_semaphore, #tpu.memory_space<semaphore_mem>>) src(%dma_wait3A_371 : memref<32x768xf32, #tpu.memory_space<hbm>>) dst(%arg9 : memref<32x768xf32, #tpu.memory_space<vmem>>)
        %ge3A = arith.constant 2 : i32
        %ge3A_372 = arith.cmpi sge, %add3A_346, %ge3A : i32
        %convert_element_type3A_373 = arith.extui %ge3A_372 : i1 to i32
        %cond3A_374 = arith.constant 0 : i32
        %cond3A_375 = arith.cmpi ne, %convert_element_type3A_373, %cond3A_374 : i32
        scf.if %cond3A_375 {
          %dma_wait3A_381 = arith.constant 0 : i32
          %dma_wait3A_382 = tpu.memref_slice %arg6[%dma_wait3A_381] : memref<32000000xf32, #tpu.memory_space<hbm>> -> memref<24576xf32, #tpu.memory_space<hbm>>
          %dma_wait3A_383 = arith.constant 0 : i32
          %dma_wait3A_384 = tpu.memref_slice %arg6[%dma_wait3A_383] : memref<32000000xf32, #tpu.memory_space<hbm>> -> memref<24576xf32, #tpu.memory_space<hbm>>
          tpu.wait_dma2 semaphore(%arg15 : memref<!tpu.dma_semaphore, #tpu.memory_space<semaphore_mem>>) src(%dma_wait3A_384 : memref<24576xf32, #tpu.memory_space<hbm>>) dst(%arg11 : memref<24576xf32, #tpu.memory_space<vmem>>)
        } else {
        }
        %mul3A_376 = arith.constant 768 : i32
        %mul3A_377 = arith.muli %add3A_366, %mul3A_376 : i32
        %mul3A_378 = arith.constant 32 : i32
        %mul3A_379 = arith.muli %mul3A_377, %mul3A_378 : i32
        %dma_start3A = tpu.memref_slice %arg6[%mul3A_379] : memref<32000000xf32, #tpu.memory_space<hbm>> -> memref<24576xf32, #tpu.memory_space<hbm>>
        %dma_start3A_380 = tpu.memref_slice %arg6[%mul3A_379] : memref<32000000xf32, #tpu.memory_space<hbm>> -> memref<24576xf32, #tpu.memory_space<hbm>>
        tpu.enqueue_dma source(%arg11 : memref<24576xf32, #tpu.memory_space<vmem>>) target(%dma_start3A_380 : memref<24576xf32, #tpu.memory_space<hbm>>) target_semaphore(%arg15 : memref<!tpu.dma_semaphore, #tpu.memory_space<semaphore_mem>>)
      } else {
      }
    }
    %scan3A_299 = arith.constant 21 : i32
    %gt3A_300 = arith.constant 0 : i32
    %gt3A_301 = arith.cmpi sgt, %add3A_5, %gt3A_300 : i32
    %convert_element_type3A_302 = arith.extui %gt3A_301 : i1 to i32
    %cond3A_303 = arith.constant 0 : i32
    %cond3A_304 = arith.cmpi ne, %convert_element_type3A_302, %cond3A_303 : i32
    scf.if %cond3A_304 {
      %dma_wait3A = arith.constant 0 : i32
      %dma_wait3A_340 = tpu.memref_slice %arg6[%dma_wait3A] : memref<32000000xf32, #tpu.memory_space<hbm>> -> memref<24576xf32, #tpu.memory_space<hbm>>
      %dma_wait3A_341 = arith.constant 0 : i32
      %dma_wait3A_342 = tpu.memref_slice %arg6[%dma_wait3A_341] : memref<32000000xf32, #tpu.memory_space<hbm>> -> memref<24576xf32, #tpu.memory_space<hbm>>
      tpu.wait_dma2 semaphore(%arg14 : memref<!tpu.dma_semaphore, #tpu.memory_space<semaphore_mem>>) src(%dma_wait3A_342 : memref<24576xf32, #tpu.memory_space<hbm>>) dst(%arg10 : memref<24576xf32, #tpu.memory_space<vmem>>)
    } else {
    }
    %gt3A_305 = arith.constant 1 : i32
    %gt3A_306 = arith.cmpi sgt, %add3A_5, %gt3A_305 : i32
    %convert_element_type3A_307 = arith.extui %gt3A_306 : i1 to i32
    %cond3A_308 = arith.constant 0 : i32
    %cond3A_309 = arith.cmpi ne, %convert_element_type3A_307, %cond3A_308 : i32
    scf.if %cond3A_309 {
      %dma_wait3A = arith.constant 0 : i32
      %dma_wait3A_340 = tpu.memref_slice %arg6[%dma_wait3A] : memref<32000000xf32, #tpu.memory_space<hbm>> -> memref<24576xf32, #tpu.memory_space<hbm>>
      %dma_wait3A_341 = arith.constant 0 : i32
      %dma_wait3A_342 = tpu.memref_slice %arg6[%dma_wait3A_341] : memref<32000000xf32, #tpu.memory_space<hbm>> -> memref<24576xf32, #tpu.memory_space<hbm>>
      tpu.wait_dma2 semaphore(%arg15 : memref<!tpu.dma_semaphore, #tpu.memory_space<semaphore_mem>>) src(%dma_wait3A_342 : memref<24576xf32, #tpu.memory_space<hbm>>) dst(%arg11 : memref<24576xf32, #tpu.memory_space<vmem>>)
    } else {
    }
    %eq3A = arith.constant 0 : i32
    %eq3A_310 = arith.cmpi eq, %add3A, %eq3A : i32
    %convert_element_type3A_311 = arith.extui %eq3A_310 : i1 to i32
    %cond3A_312 = arith.constant 0 : i32
    %cond3A_313 = arith.cmpi ne, %convert_element_type3A_311, %cond3A_312 : i32
    scf.if %cond3A_313 {
      "tpu.region"() ({
        %run_scoped3A = tpu.sem_alloc : memref<!tpu.dma_semaphore, #tpu.memory_space<semaphore_mem>>
        %dma_start3A = arith.constant 31997952 : i32
        %dma_start3A_340 = tpu.memref_slice %arg6[%dma_start3A] : memref<32000000xf32, #tpu.memory_space<hbm>> -> memref<2048xf32, #tpu.memory_space<hbm>>
        tpu.enqueue_dma source(%arg4 : memref<2048xf32, #tpu.memory_space<hbm>>) target(%dma_start3A_340 : memref<2048xf32, #tpu.memory_space<hbm>>) target_semaphore(%run_scoped3A : memref<!tpu.dma_semaphore, #tpu.memory_space<semaphore_mem>>)
        %dma_wait3A = arith.constant 31997952 : i32
        %dma_wait3A_341 = tpu.memref_slice %arg6[%dma_wait3A] : memref<32000000xf32, #tpu.memory_space<hbm>> -> memref<2048xf32, #tpu.memory_space<hbm>>
        tpu.wait_dma2 semaphore(%run_scoped3A : memref<!tpu.dma_semaphore, #tpu.memory_space<semaphore_mem>>) src(%arg4 : memref<2048xf32, #tpu.memory_space<hbm>>) dst(%dma_wait3A_341 : memref<2048xf32, #tpu.memory_space<hbm>>)
        tpu.yield
      }) : () -> ()
    } else {
    }
    %gt3A_314 = arith.constant 0 : i32
    %gt3A_315 = arith.cmpi sgt, %add3A_5, %gt3A_314 : i32
    %convert_element_type3A_316 = arith.extui %gt3A_315 : i1 to i32
    %cond3A_317 = arith.constant 0 : i32
    %cond3A_318 = arith.cmpi ne, %convert_element_type3A_316, %cond3A_317 : i32
    scf.if %cond3A_318 {
      %add3A_340 = arith.constant 0 : i32
      %add3A_341 = arith.addi %add3A, %add3A_340 : i32
      %mul3A_342 = arith.constant 768 : i32
      %mul3A_343 = arith.muli %add3A_341, %mul3A_342 : i32
      %dma_start3A = arith.constant 0 : i32
      %dma_start3A_344 = tpu.memref_slice %arg3[%dma_start3A, %mul3A_343] : memref<32x1000000xf32, #tpu.memory_space<hbm>> -> memref<32x768xf32, #tpu.memory_space<hbm>>
      %dma_start3A_345 = arith.constant 0 : i32
      %dma_start3A_346 = tpu.memref_slice %arg3[%dma_start3A_345, %mul3A_343] : memref<32x1000000xf32, #tpu.memory_space<hbm>> -> memref<32x768xf32, #tpu.memory_space<hbm>>
      tpu.enqueue_dma source(%dma_start3A_346 : memref<32x768xf32, #tpu.memory_space<hbm>>) target(%arg8 : memref<32x768xf32, #tpu.memory_space<vmem>>) target_semaphore(%arg12 : memref<!tpu.dma_semaphore, #tpu.memory_space<semaphore_mem>>)
    } else {
    }
    %scan3A_319 = arith.constant 0 : i32
    %scan3A_320 = arith.constant 0 : i32
    %scan3A_321 = arith.constant 21 : i32
    %scan3A_322 = arith.addi %scan3A_320, %scan3A_321 : i32
    %scan3A_323 = arith.constant 1 : i32
    scf.for %scan3A_340 = %scan3A_320 to %scan3A_322 step %scan3A_323  : i32 {
      %mul3A_341 = arith.constant 2 : i32
      %mul3A_342 = arith.muli %mul3A_341, %scan3A_340 : i32
      %mul3A_343 = arith.constant 2 : i32
      %mul3A_344 = arith.muli %mul3A_343, %scan3A_340 : i32
      %add3A_345 = arith.constant 1 : i32
      %add3A_346 = arith.addi %mul3A_344, %add3A_345 : i32
      %lt3A = arith.cmpi slt, %add3A_346, %add3A_5 : i32
      %convert_element_type3A_347 = arith.extui %lt3A : i1 to i32
      %cond3A_348 = arith.constant 0 : i32
      %cond3A_349 = arith.cmpi ne, %convert_element_type3A_347, %cond3A_348 : i32
      scf.if %cond3A_349 {
        %mul3A_364 = arith.constant 32 : i32
        %mul3A_365 = arith.muli %add3A_346, %mul3A_364 : i32
        %add3A_366 = arith.addi %add3A, %mul3A_365 : i32
        %mul3A_367 = arith.constant 768 : i32
        %mul3A_368 = arith.muli %add3A_366, %mul3A_367 : i32
        %dma_start3A = arith.constant 0 : i32
        %dma_start3A_369 = tpu.memref_slice %arg3[%dma_start3A, %mul3A_368] : memref<32x1000000xf32, #tpu.memory_space<hbm>> -> memref<32x768xf32, #tpu.memory_space<hbm>>
        %dma_start3A_370 = arith.constant 0 : i32
        %dma_start3A_371 = tpu.memref_slice %arg3[%dma_start3A_370, %mul3A_368] : memref<32x1000000xf32, #tpu.memory_space<hbm>> -> memref<32x768xf32, #tpu.memory_space<hbm>>
        tpu.enqueue_dma source(%dma_start3A_371 : memref<32x768xf32, #tpu.memory_space<hbm>>) target(%arg9 : memref<32x768xf32, #tpu.memory_space<vmem>>) target_semaphore(%arg13 : memref<!tpu.dma_semaphore, #tpu.memory_space<semaphore_mem>>)
      } else {
      }
      %lt3A_350 = arith.cmpi slt, %mul3A_342, %add3A_5 : i32
      %convert_element_type3A_351 = arith.extui %lt3A_350 : i1 to i32
      %cond3A_352 = arith.constant 0 : i32
      %cond3A_353 = arith.cmpi ne, %convert_element_type3A_351, %cond3A_352 : i32
      scf.if %cond3A_353 {
        %mul3A_364 = arith.constant 32 : i32
        %mul3A_365 = arith.muli %mul3A_342, %mul3A_364 : i32
        %add3A_366 = arith.addi %add3A, %mul3A_365 : i32
        %dma_wait3A = arith.constant 0 : i32
        %dma_wait3A_367 = arith.constant 0 : i32
        %dma_wait3A_368 = tpu.memref_slice %arg3[%dma_wait3A, %dma_wait3A_367] : memref<32x1000000xf32, #tpu.memory_space<hbm>> -> memref<32x768xf32, #tpu.memory_space<hbm>>
        %dma_wait3A_369 = arith.constant 0 : i32
        %dma_wait3A_370 = arith.constant 0 : i32
        %dma_wait3A_371 = tpu.memref_slice %arg3[%dma_wait3A_369, %dma_wait3A_370] : memref<32x1000000xf32, #tpu.memory_space<hbm>> -> memref<32x768xf32, #tpu.memory_space<hbm>>
        tpu.wait_dma2 semaphore(%arg12 : memref<!tpu.dma_semaphore, #tpu.memory_space<semaphore_mem>>) src(%dma_wait3A_371 : memref<32x768xf32, #tpu.memory_space<hbm>>) dst(%arg8 : memref<32x768xf32, #tpu.memory_space<vmem>>)
        %ge3A = arith.constant 2 : i32
        %ge3A_372 = arith.cmpi sge, %mul3A_342, %ge3A : i32
        %convert_element_type3A_373 = arith.extui %ge3A_372 : i1 to i32
        %cond3A_374 = arith.constant 0 : i32
        %cond3A_375 = arith.cmpi ne, %convert_element_type3A_373, %cond3A_374 : i32
        scf.if %cond3A_375 {
          %dma_wait3A_381 = arith.constant 0 : i32
          %dma_wait3A_382 = tpu.memref_slice %arg7[%dma_wait3A_381] : memref<32000000xf32, #tpu.memory_space<hbm>> -> memref<24576xf32, #tpu.memory_space<hbm>>
          %dma_wait3A_383 = arith.constant 0 : i32
          %dma_wait3A_384 = tpu.memref_slice %arg7[%dma_wait3A_383] : memref<32000000xf32, #tpu.memory_space<hbm>> -> memref<24576xf32, #tpu.memory_space<hbm>>
          tpu.wait_dma2 semaphore(%arg14 : memref<!tpu.dma_semaphore, #tpu.memory_space<semaphore_mem>>) src(%dma_wait3A_384 : memref<24576xf32, #tpu.memory_space<hbm>>) dst(%arg10 : memref<24576xf32, #tpu.memory_space<vmem>>)
        } else {
        }
        %mul3A_376 = arith.constant 768 : i32
        %mul3A_377 = arith.muli %add3A_366, %mul3A_376 : i32
        %mul3A_378 = arith.constant 32 : i32
        %mul3A_379 = arith.muli %mul3A_377, %mul3A_378 : i32
        %dma_start3A = tpu.memref_slice %arg7[%mul3A_379] : memref<32000000xf32, #tpu.memory_space<hbm>> -> memref<24576xf32, #tpu.memory_space<hbm>>
        %dma_start3A_380 = tpu.memref_slice %arg7[%mul3A_379] : memref<32000000xf32, #tpu.memory_space<hbm>> -> memref<24576xf32, #tpu.memory_space<hbm>>
        tpu.enqueue_dma source(%arg10 : memref<24576xf32, #tpu.memory_space<vmem>>) target(%dma_start3A_380 : memref<24576xf32, #tpu.memory_space<hbm>>) target_semaphore(%arg14 : memref<!tpu.dma_semaphore, #tpu.memory_space<semaphore_mem>>)
      } else {
      }
      %add3A_354 = arith.constant 1 : i32
      %add3A_355 = arith.addi %add3A_346, %add3A_354 : i32
      %lt3A_356 = arith.cmpi slt, %add3A_355, %add3A_5 : i32
      %convert_element_type3A_357 = arith.extui %lt3A_356 : i1 to i32
      %cond3A_358 = arith.constant 0 : i32
      %cond3A_359 = arith.cmpi ne, %convert_element_type3A_357, %cond3A_358 : i32
      scf.if %cond3A_359 {
        %mul3A_364 = arith.constant 32 : i32
        %mul3A_365 = arith.muli %add3A_355, %mul3A_364 : i32
        %add3A_366 = arith.addi %add3A, %mul3A_365 : i32
        %mul3A_367 = arith.constant 768 : i32
        %mul3A_368 = arith.muli %add3A_366, %mul3A_367 : i32
        %dma_start3A = arith.constant 0 : i32
        %dma_start3A_369 = tpu.memref_slice %arg3[%dma_start3A, %mul3A_368] : memref<32x1000000xf32, #tpu.memory_space<hbm>> -> memref<32x768xf32, #tpu.memory_space<hbm>>
        %dma_start3A_370 = arith.constant 0 : i32
        %dma_start3A_371 = tpu.memref_slice %arg3[%dma_start3A_370, %mul3A_368] : memref<32x1000000xf32, #tpu.memory_space<hbm>> -> memref<32x768xf32, #tpu.memory_space<hbm>>
        tpu.enqueue_dma source(%dma_start3A_371 : memref<32x768xf32, #tpu.memory_space<hbm>>) target(%arg8 : memref<32x768xf32, #tpu.memory_space<vmem>>) target_semaphore(%arg12 : memref<!tpu.dma_semaphore, #tpu.memory_space<semaphore_mem>>)
      } else {
      }
      %lt3A_360 = arith.cmpi slt, %add3A_346, %add3A_5 : i32
      %convert_element_type3A_361 = arith.extui %lt3A_360 : i1 to i32
      %cond3A_362 = arith.constant 0 : i32
      %cond3A_363 = arith.cmpi ne, %convert_element_type3A_361, %cond3A_362 : i32
      scf.if %cond3A_363 {
        %mul3A_364 = arith.constant 32 : i32
        %mul3A_365 = arith.muli %add3A_346, %mul3A_364 : i32
        %add3A_366 = arith.addi %add3A, %mul3A_365 : i32
        %dma_wait3A = arith.constant 0 : i32
        %dma_wait3A_367 = arith.constant 0 : i32
        %dma_wait3A_368 = tpu.memref_slice %arg3[%dma_wait3A, %dma_wait3A_367] : memref<32x1000000xf32, #tpu.memory_space<hbm>> -> memref<32x768xf32, #tpu.memory_space<hbm>>
        %dma_wait3A_369 = arith.constant 0 : i32
        %dma_wait3A_370 = arith.constant 0 : i32
        %dma_wait3A_371 = tpu.memref_slice %arg3[%dma_wait3A_369, %dma_wait3A_370] : memref<32x1000000xf32, #tpu.memory_space<hbm>> -> memref<32x768xf32, #tpu.memory_space<hbm>>
        tpu.wait_dma2 semaphore(%arg13 : memref<!tpu.dma_semaphore, #tpu.memory_space<semaphore_mem>>) src(%dma_wait3A_371 : memref<32x768xf32, #tpu.memory_space<hbm>>) dst(%arg9 : memref<32x768xf32, #tpu.memory_space<vmem>>)
        %ge3A = arith.constant 2 : i32
        %ge3A_372 = arith.cmpi sge, %add3A_346, %ge3A : i32
        %convert_element_type3A_373 = arith.extui %ge3A_372 : i1 to i32
        %cond3A_374 = arith.constant 0 : i32
        %cond3A_375 = arith.cmpi ne, %convert_element_type3A_373, %cond3A_374 : i32
        scf.if %cond3A_375 {
          %dma_wait3A_381 = arith.constant 0 : i32
          %dma_wait3A_382 = tpu.memref_slice %arg7[%dma_wait3A_381] : memref<32000000xf32, #tpu.memory_space<hbm>> -> memref<24576xf32, #tpu.memory_space<hbm>>
          %dma_wait3A_383 = arith.constant 0 : i32
          %dma_wait3A_384 = tpu.memref_slice %arg7[%dma_wait3A_383] : memref<32000000xf32, #tpu.memory_space<hbm>> -> memref<24576xf32, #tpu.memory_space<hbm>>
          tpu.wait_dma2 semaphore(%arg15 : memref<!tpu.dma_semaphore, #tpu.memory_space<semaphore_mem>>) src(%dma_wait3A_384 : memref<24576xf32, #tpu.memory_space<hbm>>) dst(%arg11 : memref<24576xf32, #tpu.memory_space<vmem>>)
        } else {
        }
        %mul3A_376 = arith.constant 768 : i32
        %mul3A_377 = arith.muli %add3A_366, %mul3A_376 : i32
        %mul3A_378 = arith.constant 32 : i32
        %mul3A_379 = arith.muli %mul3A_377, %mul3A_378 : i32
        %dma_start3A = tpu.memref_slice %arg7[%mul3A_379] : memref<32000000xf32, #tpu.memory_space<hbm>> -> memref<24576xf32, #tpu.memory_space<hbm>>
        %dma_start3A_380 = tpu.memref_slice %arg7[%mul3A_379] : memref<32000000xf32, #tpu.memory_space<hbm>> -> memref<24576xf32, #tpu.memory_space<hbm>>
        tpu.enqueue_dma source(%arg11 : memref<24576xf32, #tpu.memory_space<vmem>>) target(%dma_start3A_380 : memref<24576xf32, #tpu.memory_space<hbm>>) target_semaphore(%arg15 : memref<!tpu.dma_semaphore, #tpu.memory_space<semaphore_mem>>)
      } else {
      }
    }
    %scan3A_324 = arith.constant 21 : i32
    %gt3A_325 = arith.constant 0 : i32
    %gt3A_326 = arith.cmpi sgt, %add3A_5, %gt3A_325 : i32
    %convert_element_type3A_327 = arith.extui %gt3A_326 : i1 to i32
    %cond3A_328 = arith.constant 0 : i32
    %cond3A_329 = arith.cmpi ne, %convert_element_type3A_327, %cond3A_328 : i32
    scf.if %cond3A_329 {
      %dma_wait3A = arith.constant 0 : i32
      %dma_wait3A_340 = tpu.memref_slice %arg7[%dma_wait3A] : memref<32000000xf32, #tpu.memory_space<hbm>> -> memref<24576xf32, #tpu.memory_space<hbm>>
      %dma_wait3A_341 = arith.constant 0 : i32
      %dma_wait3A_342 = tpu.memref_slice %arg7[%dma_wait3A_341] : memref<32000000xf32, #tpu.memory_space<hbm>> -> memref<24576xf32, #tpu.memory_space<hbm>>
      tpu.wait_dma2 semaphore(%arg14 : memref<!tpu.dma_semaphore, #tpu.memory_space<semaphore_mem>>) src(%dma_wait3A_342 : memref<24576xf32, #tpu.memory_space<hbm>>) dst(%arg10 : memref<24576xf32, #tpu.memory_space<vmem>>)
    } else {
    }
    %gt3A_330 = arith.constant 1 : i32
    %gt3A_331 = arith.cmpi sgt, %add3A_5, %gt3A_330 : i32
    %convert_element_type3A_332 = arith.extui %gt3A_331 : i1 to i32
    %cond3A_333 = arith.constant 0 : i32
    %cond3A_334 = arith.cmpi ne, %convert_element_type3A_332, %cond3A_333 : i32
    scf.if %cond3A_334 {
      %dma_wait3A = arith.constant 0 : i32
      %dma_wait3A_340 = tpu.memref_slice %arg7[%dma_wait3A] : memref<32000000xf32, #tpu.memory_space<hbm>> -> memref<24576xf32, #tpu.memory_space<hbm>>
      %dma_wait3A_341 = arith.constant 0 : i32
      %dma_wait3A_342 = tpu.memref_slice %arg7[%dma_wait3A_341] : memref<32000000xf32, #tpu.memory_space<hbm>> -> memref<24576xf32, #tpu.memory_space<hbm>>
      tpu.wait_dma2 semaphore(%arg15 : memref<!tpu.dma_semaphore, #tpu.memory_space<semaphore_mem>>) src(%dma_wait3A_342 : memref<24576xf32, #tpu.memory_space<hbm>>) dst(%arg11 : memref<24576xf32, #tpu.memory_space<vmem>>)
    } else {
    }
    %eq3A_335 = arith.constant 0 : i32
    %eq3A_336 = arith.cmpi eq, %add3A, %eq3A_335 : i32
    %convert_element_type3A_337 = arith.extui %eq3A_336 : i1 to i32
    %cond3A_338 = arith.constant 0 : i32
    %cond3A_339 = arith.cmpi ne, %convert_element_type3A_337, %cond3A_338 : i32
    scf.if %cond3A_339 {
      "tpu.region"() ({
        %run_scoped3A = tpu.sem_alloc : memref<!tpu.dma_semaphore, #tpu.memory_space<semaphore_mem>>
        %dma_start3A = arith.constant 31997952 : i32
        %dma_start3A_340 = tpu.memref_slice %arg7[%dma_start3A] : memref<32000000xf32, #tpu.memory_space<hbm>> -> memref<2048xf32, #tpu.memory_space<hbm>>
        tpu.enqueue_dma source(%arg5 : memref<2048xf32, #tpu.memory_space<hbm>>) target(%dma_start3A_340 : memref<2048xf32, #tpu.memory_space<hbm>>) target_semaphore(%run_scoped3A : memref<!tpu.dma_semaphore, #tpu.memory_space<semaphore_mem>>)
        %dma_wait3A = arith.constant 31997952 : i32
        %dma_wait3A_341 = tpu.memref_slice %arg7[%dma_wait3A] : memref<32000000xf32, #tpu.memory_space<hbm>> -> memref<2048xf32, #tpu.memory_space<hbm>>
        tpu.wait_dma2 semaphore(%run_scoped3A : memref<!tpu.dma_semaphore, #tpu.memory_space<semaphore_mem>>) src(%arg5 : memref<2048xf32, #tpu.memory_space<hbm>>) dst(%dma_wait3A_341 : memref<2048xf32, #tpu.memory_space<hbm>>)
        tpu.yield
      }) : () -> ()
    } else {
    }
    return
  }
}

module attributes {stable_mosaic.version = 14 : i64} {
  func.func @_desc_body(%arg0: i32, %arg1: memref<2048x300xf32, #tpu.memory_space<vmem>>, %arg2: memref<300x32xf32, #tpu.memory_space<vmem>>, %arg3: memref<1x32xf32, #tpu.memory_space<vmem>>, %arg4: memref<2048x32xf32, #tpu.memory_space<vmem>>) attributes {dimension_semantics = [#tpu.dimension_semantics<arbitrary>], iteration_bounds = array<i64: 8>, scalar_prefetch = 0 : i64, scratch_operands = 0 : i64, tpu.core_type = #tpu.core_type<tc>, window_params = [{transform_indices = @transform_0, window_bounds = array<i64: 2048, 300>}, {pipeline_mode = #tpu.pipeline_mode<synchronous>, transform_indices = @transform_1, window_bounds = array<i64: 300, 32>}, {pipeline_mode = #tpu.pipeline_mode<synchronous>, transform_indices = @transform_2, window_bounds = array<i64: 1, 32>}, {transform_indices = @transform_3, window_bounds = array<i64: 2048, 32>}]} {
    %get3A = arith.constant 0 : index
    %get3A_0 = arith.constant 0 : index
    %get3A_1 = vector.load %arg1[%get3A, %get3A_0] : memref<2048x300xf32, #tpu.memory_space<vmem>>, vector<2048x300xf32>
    %get3A_2 = arith.constant 0 : index
    %get3A_3 = arith.constant 0 : index
    %get3A_4 = vector.load %arg2[%get3A_2, %get3A_3] : memref<300x32xf32, #tpu.memory_space<vmem>>, vector<300x32xf32>
    %dot_general3A = arith.constant dense<0.000000e+00> : vector<2048x32xf32>
    %dot_general3A_5 = tpu.matmul %get3A_1, %get3A_4, %dot_general3A {dimension_numbers = #tpu.dot_dimension_numbers<[1], [0], [0], [1], [0, 0, 1, 1], [], []>, transpose_lhs_hint = false} : vector<2048x300xf32>, vector<300x32xf32>, vector<2048x32xf32> -> vector<2048x32xf32>
    %get3A_6 = arith.constant 0 : index
    %get3A_7 = arith.constant 0 : index
    %get3A_8 = vector.load %arg3[%get3A_6, %get3A_7] : memref<1x32xf32, #tpu.memory_space<vmem>>, vector<1x32xf32>
    %add3A = vector.broadcast %get3A_8 : vector<1x32xf32> to vector<2048x32xf32>
    %add3A_9 = arith.addf %dot_general3A_5, %add3A : vector<2048x32xf32>
    %max3A = arith.constant 0.000000e+00 : f32
    %max3A_10 = vector.broadcast %max3A : f32 to vector<2048x32xf32>
    %max3A_11 = arith.maximumf %add3A_9, %max3A_10 : vector<2048x32xf32>
    %swap3A = arith.constant 0 : index
    %swap3A_12 = arith.constant 0 : index
    %swap3A_13 = vector.load %arg4[%swap3A, %swap3A_12] : memref<2048x32xf32, #tpu.memory_space<vmem>>, vector<2048x32xf32>
    tpu.vector_store %arg4[%swap3A, %swap3A_12], %max3A_11 {strides = array<i32>} : memref<2048x32xf32, #tpu.memory_space<vmem>>, vector<2048x32xf32>,
    return
  }
  func.func @transform_0(%arg0: i32) -> (i32, i32) {
    %c0_i32 = arith.constant 0 : i32
    %c0_i32_0 = arith.constant 0 : i32
    return %arg0, %c0_i32 : i32, i32
  }
  func.func @transform_1(%arg0: i32) -> (i32, i32) {
    %c0_i32 = arith.constant 0 : i32
    %c0_i32_0 = arith.constant 0 : i32
    %c0_i32_1 = arith.constant 0 : i32
    return %c0_i32, %c0_i32_0 : i32, i32
  }
  func.func @transform_2(%arg0: i32) -> (i32, i32) {
    %c0_i32 = arith.constant 0 : i32
    %c0_i32_0 = arith.constant 0 : i32
    %c0_i32_1 = arith.constant 0 : i32
    return %c0_i32, %c0_i32_0 : i32, i32
  }
  func.func @transform_3(%arg0: i32) -> (i32, i32) {
    %c0_i32 = arith.constant 0 : i32
    %c0_i32_0 = arith.constant 0 : i32
    return %arg0, %c0_i32 : i32, i32
  }
}

module attributes {stable_mosaic.version = 14 : i64} {
  func.func @_mlp_body(%arg0: i32, %arg1: memref<4096x32xf32, #tpu.memory_space<vmem>>, %arg2: memref<4096x32xf32, #tpu.memory_space<vmem>>, %arg3: memref<4096x32xf32, #tpu.memory_space<vmem>>, %arg4: memref<96x64xf32, #tpu.memory_space<vmem>>, %arg5: memref<1x64xf32, #tpu.memory_space<vmem>>, %arg6: memref<64x32xf32, #tpu.memory_space<vmem>>, %arg7: memref<1x32xf32, #tpu.memory_space<vmem>>, %arg8: memref<1x32xf32, #tpu.memory_space<vmem>>, %arg9: memref<1x1xf32, #tpu.memory_space<vmem>>, %arg10: memref<4096x1xf32, #tpu.memory_space<vmem>>) attributes {dimension_semantics = [#tpu.dimension_semantics<arbitrary>], iteration_bounds = array<i64: 4>, scalar_prefetch = 0 : i64, scratch_operands = 0 : i64, tpu.core_type = #tpu.core_type<tc>, window_params = [{transform_indices = @transform_0, window_bounds = array<i64: 4096, 32>}, {transform_indices = @transform_1, window_bounds = array<i64: 4096, 32>}, {transform_indices = @transform_2, window_bounds = array<i64: 4096, 32>}, {pipeline_mode = #tpu.pipeline_mode<synchronous>, transform_indices = @transform_3, window_bounds = array<i64: 96, 64>}, {pipeline_mode = #tpu.pipeline_mode<synchronous>, transform_indices = @transform_4, window_bounds = array<i64: 1, 64>}, {pipeline_mode = #tpu.pipeline_mode<synchronous>, transform_indices = @transform_5, window_bounds = array<i64: 64, 32>}, {pipeline_mode = #tpu.pipeline_mode<synchronous>, transform_indices = @transform_6, window_bounds = array<i64: 1, 32>}, {pipeline_mode = #tpu.pipeline_mode<synchronous>, transform_indices = @transform_7, window_bounds = array<i64: 1, 32>}, {pipeline_mode = #tpu.pipeline_mode<synchronous>, transform_indices = @transform_8, window_bounds = array<i64: 1, 1>}, {transform_indices = @transform_9, window_bounds = array<i64: 4096, 1>}]} {
    %get3A = arith.constant 0 : index
    %get3A_0 = arith.constant 0 : index
    %get3A_1 = vector.load %arg4[%get3A, %get3A_0] : memref<96x64xf32, #tpu.memory_space<vmem>>, vector<96x64xf32>
    %get3A_2 = arith.constant 0 : index
    %get3A_3 = arith.constant 0 : index
    %get3A_4 = vector.load %arg1[%get3A_2, %get3A_3] : memref<4096x32xf32, #tpu.memory_space<vmem>>, vector<4096x32xf32>
    %slice3A = vector.extract_strided_slice %get3A_1 {offsets = [0, 0], sizes = [32, 64], strides = [1, 1]} : vector<96x64xf32> to vector<32x64xf32>
    %dot_general3A = arith.constant dense<0.000000e+00> : vector<4096x64xf32>
    %dot_general3A_5 = tpu.matmul %get3A_4, %slice3A, %dot_general3A {dimension_numbers = #tpu.dot_dimension_numbers<[1], [0], [0], [1], [0, 0, 1, 1], [], []>, transpose_lhs_hint = false} : vector<4096x32xf32>, vector<32x64xf32>, vector<4096x64xf32> -> vector<4096x64xf32>
    %get3A_6 = arith.constant 0 : index
    %get3A_7 = arith.constant 0 : index
    %get3A_8 = vector.load %arg2[%get3A_6, %get3A_7] : memref<4096x32xf32, #tpu.memory_space<vmem>>, vector<4096x32xf32>
    %slice3A_9 = vector.extract_strided_slice %get3A_1 {offsets = [32, 0], sizes = [32, 64], strides = [1, 1]} : vector<96x64xf32> to vector<32x64xf32>
    %dot_general3A_10 = arith.constant dense<0.000000e+00> : vector<4096x64xf32>
    %dot_general3A_11 = tpu.matmul %get3A_8, %slice3A_9, %dot_general3A_10 {dimension_numbers = #tpu.dot_dimension_numbers<[1], [0], [0], [1], [0, 0, 1, 1], [], []>, transpose_lhs_hint = false} : vector<4096x32xf32>, vector<32x64xf32>, vector<4096x64xf32> -> vector<4096x64xf32>
    %add3A = arith.addf %dot_general3A_5, %dot_general3A_11 : vector<4096x64xf32>
    %get3A_12 = arith.constant 0 : index
    %get3A_13 = arith.constant 0 : index
    %get3A_14 = vector.load %arg3[%get3A_12, %get3A_13] : memref<4096x32xf32, #tpu.memory_space<vmem>>, vector<4096x32xf32>
    %slice3A_15 = vector.extract_strided_slice %get3A_1 {offsets = [64, 0], sizes = [32, 64], strides = [1, 1]} : vector<96x64xf32> to vector<32x64xf32>
    %dot_general3A_16 = arith.constant dense<0.000000e+00> : vector<4096x64xf32>
    %dot_general3A_17 = tpu.matmul %get3A_14, %slice3A_15, %dot_general3A_16 {dimension_numbers = #tpu.dot_dimension_numbers<[1], [0], [0], [1], [0, 0, 1, 1], [], []>, transpose_lhs_hint = false} : vector<4096x32xf32>, vector<32x64xf32>, vector<4096x64xf32> -> vector<4096x64xf32>
    %add3A_18 = arith.addf %add3A, %dot_general3A_17 : vector<4096x64xf32>
    %get3A_19 = arith.constant 0 : index
    %get3A_20 = arith.constant 0 : index
    %get3A_21 = vector.load %arg5[%get3A_19, %get3A_20] : memref<1x64xf32, #tpu.memory_space<vmem>>, vector<1x64xf32>
    %add3A_22 = vector.broadcast %get3A_21 : vector<1x64xf32> to vector<4096x64xf32>
    %add3A_23 = arith.addf %add3A_18, %add3A_22 : vector<4096x64xf32>
    %max3A = arith.constant 0.000000e+00 : f32
    %max3A_24 = vector.broadcast %max3A : f32 to vector<4096x64xf32>
    %max3A_25 = arith.maximumf %add3A_23, %max3A_24 : vector<4096x64xf32>
    %get3A_26 = arith.constant 0 : index
    %get3A_27 = arith.constant 0 : index
    %get3A_28 = vector.load %arg6[%get3A_26, %get3A_27] : memref<64x32xf32, #tpu.memory_space<vmem>>, vector<64x32xf32>
    %dot_general3A_29 = arith.constant dense<0.000000e+00> : vector<4096x32xf32>
    %dot_general3A_30 = tpu.matmul %max3A_25, %get3A_28, %dot_general3A_29 {dimension_numbers = #tpu.dot_dimension_numbers<[1], [0], [0], [1], [0, 0, 1, 1], [], []>, transpose_lhs_hint = false} : vector<4096x64xf32>, vector<64x32xf32>, vector<4096x32xf32> -> vector<4096x32xf32>
    %get3A_31 = arith.constant 0 : index
    %get3A_32 = arith.constant 0 : index
    %get3A_33 = vector.load %arg7[%get3A_31, %get3A_32] : memref<1x32xf32, #tpu.memory_space<vmem>>, vector<1x32xf32>
    %add3A_34 = vector.broadcast %get3A_33 : vector<1x32xf32> to vector<4096x32xf32>
    %add3A_35 = arith.addf %dot_general3A_30, %add3A_34 : vector<4096x32xf32>
    %max3A_36 = arith.constant 0.000000e+00 : f32
    %max3A_37 = vector.broadcast %max3A_36 : f32 to vector<4096x32xf32>
    %max3A_38 = arith.maximumf %add3A_35, %max3A_37 : vector<4096x32xf32>
    %get3A_39 = arith.constant 0 : index
    %get3A_40 = arith.constant 0 : index
    %get3A_41 = vector.load %arg8[%get3A_39, %get3A_40] : memref<1x32xf32, #tpu.memory_space<vmem>>, vector<1x32xf32>
    %mul3A = vector.broadcast %get3A_41 : vector<1x32xf32> to vector<4096x32xf32>
    %mul3A_42 = arith.mulf %max3A_38, %mul3A : vector<4096x32xf32>
    %reduce_sum3A = arith.constant dense<0.000000e+00> : vector<4096xf32>
    %reduce_sum3A_43 = vector.multi_reduction <add>, %mul3A_42, %reduce_sum3A [1] : vector<4096x32xf32> to vector<4096xf32>
    %broadcast_in_dim3A = vector.shape_cast %reduce_sum3A_43 : vector<4096xf32> to vector<4096x1xf32>
    %get3A_44 = arith.constant 0 : index
    %get3A_45 = arith.constant 0 : index
    %get3A_46 = vector.load %arg9[%get3A_44, %get3A_45] : memref<1x1xf32, #tpu.memory_space<vmem>>, vector<1x1xf32>
    %add3A_47 = vector.broadcast %get3A_46 : vector<1x1xf32> to vector<4096x1xf32>
    %add3A_48 = arith.addf %broadcast_in_dim3A, %add3A_47 : vector<4096x1xf32>
    %swap3A = arith.constant 0 : index
    %swap3A_49 = arith.constant 0 : index
    %swap3A_50 = vector.load %arg10[%swap3A, %swap3A_49] : memref<4096x1xf32, #tpu.memory_space<vmem>>, vector<4096x1xf32>
    tpu.vector_store %arg10[%swap3A, %swap3A_49], %add3A_48 {strides = array<i32>} : memref<4096x1xf32, #tpu.memory_space<vmem>>, vector<4096x1xf32>,
    return
  }
  func.func @transform_0(%arg0: i32) -> (i32, i32) {
    %c0_i32 = arith.constant 0 : i32
    %c0_i32_0 = arith.constant 0 : i32
    return %arg0, %c0_i32 : i32, i32
  }
  func.func @transform_1(%arg0: i32) -> (i32, i32) {
    %c0_i32 = arith.constant 0 : i32
    %c0_i32_0 = arith.constant 0 : i32
    return %arg0, %c0_i32 : i32, i32
  }
  func.func @transform_2(%arg0: i32) -> (i32, i32) {
    %c0_i32 = arith.constant 0 : i32
    %c0_i32_0 = arith.constant 0 : i32
    return %arg0, %c0_i32 : i32, i32
  }
  func.func @transform_3(%arg0: i32) -> (i32, i32) {
    %c0_i32 = arith.constant 0 : i32
    %c0_i32_0 = arith.constant 0 : i32
    %c0_i32_1 = arith.constant 0 : i32
    return %c0_i32, %c0_i32_0 : i32, i32
  }
  func.func @transform_4(%arg0: i32) -> (i32, i32) {
    %c0_i32 = arith.constant 0 : i32
    %c0_i32_0 = arith.constant 0 : i32
    %c0_i32_1 = arith.constant 0 : i32
    return %c0_i32, %c0_i32_0 : i32, i32
  }
  func.func @transform_5(%arg0: i32) -> (i32, i32) {
    %c0_i32 = arith.constant 0 : i32
    %c0_i32_0 = arith.constant 0 : i32
    %c0_i32_1 = arith.constant 0 : i32
    return %c0_i32, %c0_i32_0 : i32, i32
  }
  func.func @transform_6(%arg0: i32) -> (i32, i32) {
    %c0_i32 = arith.constant 0 : i32
    %c0_i32_0 = arith.constant 0 : i32
    %c0_i32_1 = arith.constant 0 : i32
    return %c0_i32, %c0_i32_0 : i32, i32
  }
  func.func @transform_7(%arg0: i32) -> (i32, i32) {
    %c0_i32 = arith.constant 0 : i32
    %c0_i32_0 = arith.constant 0 : i32
    %c0_i32_1 = arith.constant 0 : i32
    return %c0_i32, %c0_i32_0 : i32, i32
  }
  func.func @transform_8(%arg0: i32) -> (i32, i32) {
    %c0_i32 = arith.constant 0 : i32
    %c0_i32_0 = arith.constant 0 : i32
    %c0_i32_1 = arith.constant 0 : i32
    return %c0_i32, %c0_i32_0 : i32, i32
  }
  func.func @transform_9(%arg0: i32) -> (i32, i32) {
    %c0_i32 = arith.constant 0 : i32
    %c0_i32_0 = arith.constant 0 : i32
    return %arg0, %c0_i32 : i32, i32
  }
}

</mosaic_0001>

<sc_bundles>
// kernel: kernel.6.cloned.1.call-start
scs
__scs_entry_jumppad:
0x0: {  	(pc) =	sbr.rel $0x88, $3  }
0x1: {  	(tag) =	ssettag $0x0;
	lr =	simm.s32 $0x1  }
0x2: {  	[smem:$0x3F94] =	sst lr;
	_ =	strace $0xD0000000  }
0x3: {  	_ = 	snop  }
0x4: {  	_ = 	snop  }
0x5: {  	_ = 	snop  }
0x6: {  	_ = 	snop  }
0x7: {  	_ = 	snop  }
__scs_overlays_trampoline_lowered:
0x8: {  	[smem:$0x3FA3] =	sst s0  }
0x9: {  	[smem:$0x3FA4] =	sst s1  }
0xa: {  	[smem:$0x3FA5] =	sst s2  }
0xb: {  	[smem:$0x3FA6] =	sst s3  }
0xc: {  	[smem:$0x3FA7] =	sst s4  }
0xd: {  	[smem:$0x3FA8] =	sst s5  }
0xe: {  	[smem:$0x3FA9] =	sst s6  }
0xf: {  	[smem:$0x3FAA] =	sst s7  }
0x10: {  	[smem:$0x3FAB] =	sst s8  }
0x11: {  	[smem:$0x3FAC] =	sst s9;
	s0 =	simm.s32 @!p0 $0x0  }
0x12: {  	s1 =	sld [smem:$0x3F92];
	s0 =	simm.s32 @p0 $0x1  }
0x13: {  	[smem:$0x3FAD] =	sst s0;
	s0 =	simm.s32 @!p1 $0x0  }
0x14: {  	s2 =	sld [smem:$0x3F91];
	s0 =	simm.s32 @p1 $0x1  }
0x15: {  	[smem:$0x3FAE] =	sst s0;
	s0 =	simm.s32 @!p2 $0x0  }
0x16: {  	s3 =	sld [smem:$0x3FDB];
	s0 =	simm.s32 @p2 $0x1  }
0x17: {  	s4 =	simm.s32 $0x1BF5;
	[smem:$0x3FB0] =	sst s0  }
0x18: {  	s0 =	sld [smem:$0x3F93];
	_ =	swait.ge [sflag:s4], $0x0  }
0x19: {  	s7 =	sld [smem:$0x3F94]  }
0x1a: {  	s8 =	sadd.s32 $0xFFFFE003, lr  }
0x1b: {  	s9 =	sadd.s32 $0xFFFFFEF7, lr;
	s5 =	simm.s32 $0xFFFFFFFF;
	p2 =	slt.u32 s8, $0xFFFFF086  }
0x1c: {  	p1 =	slt.u32 s9, $0xF7A;
	s5 =	simm.s32 @!p2 $0x0  }
0x1d: {  	s5 =	simm.s32 @p1 $0x1;
	p0 =	seq.s32 s7, s2  }
0x1e: {  	s7 =	smul.u32 @!p0 $0xF7A, s2;
	p2 =	seq.s32 @!p0 s5, $0x0  }
0x1f: {  	s9 =	smul.u32 $0xF7A, s1;
	s8 =	simm.s32 @!p0 $0x1BF5;
	p2 =	por !p2, p0  }
0x20: {  	[sflag:s8] =	ssyncset.s32 @!p0 $0xFFFFF086;
	s6 =	sadd.s32 @!p0 s3, s7;
	s7 =	simm.s32 @!p0 $0x108  }
0x21: {  	s3 =	sadd.s32 s3, s9;
	s6 =	sadd.s32 @!p0 $0x88, s6;
	s7 =	simm.s32 @p2 $0x1082  }
0x22: {  	[simem:s7], [sflag:s8] =	dma.local @!p0 [hbm:s6], $0xF7A  }
0x23: {  	s9 =	sor.u32 $0xD0000000, s2;
	s6 =	simm.s32 $0x108;
	_ =	swait.ge @!p0 [sflag:s8], $0x0  }
0x24: {  	s3 =	sadd.s32 $0x88, s3;
	s6 =	simm.s32 @!p1 $0x1082;
	[sflag:s4] =	ssyncset.s32 $0xFFFFF086  }
0x25: {  	[simem:s6], [sflag:s4] =	dma.local [hbm:s3], $0xF7A  }
0x26: {  	[smem:$0x3F94] =	sst s1;
	(tag) =	ssettag s2;
	_ =	strace s9  }
0x27: {  	s1 =	sld [smem:$0x3FA4]  }
0x28: {  	s2 =	sld [smem:$0x3FA5]  }
0x29: {  	s4 =	sld [smem:$0x3FA7]  }
0x2a: {  	p0 =	seq.s32 s5, $0x0;
	s5 =	sld [smem:$0x3FA8]  }
0x2b: {  	s6 =	sld [smem:$0x3FA9]  }
0x2c: {  	s7 =	sld [smem:$0x3FAA]  }
0x2d: {  	s3 =	simm.s32 $0x108;
	s8 =	sld [smem:$0x3FAB]  }
0x2e: {  	s3 =	simm.s32 @!p0 $0x1082;
	s9 =	sld [smem:$0x3FAC]  }
0x2f: {  	lr =	sadd.s32 s0, s3;
	s0 =	sld [smem:$0x3FA3]  }
0x30: {  	s3 =	sld [smem:$0x3FA6]  }
0x31: {  	[smem:$0x3FAF] =	sst s10  }
0x32: {  	s10 =	sld [smem:$0x3FAD];
	_ =	sdelay $0x3  }
0x33: {  	p0 =	seq.s32 s10, $0x1;
	s10 =	sld [smem:$0x3FAF];
	_ =	sdelay $0x3  }
0x34: {  	[smem:$0x3FAF] =	sst s10  }
0x35: {  	s10 =	sld [smem:$0x3FAE];
	_ =	sdelay $0x3  }
0x36: {  	p1 =	seq.s32 s10, $0x1;
	s10 =	sld [smem:$0x3FAF];
	_ =	sdelay $0x3  }
0x37: {  	[smem:$0x3FAF] =	sst s10  }
0x38: {  	s10 =	sld [smem:$0x3FB0]  }
0x39: {  	_ = 	snop;
	(pc) =	sbr.ind lr, $3  }
0x3a: {  	_ = 	snop  }
0x3b: {  	_ = 	snop  }
0x3c: {  	p2 =	seq.s32 s10, $0x1;
	s10 =	sld [smem:$0x3FAF]  }
0x3d: {  	_ =	shalt  }
0x3e: {  	_ =	shalt  }
0x3f: {  	_ =	shalt  }
0x40: {  	_ =	shalt  }
0x41: {  	_ =	shalt  }
0x42: {  	_ =	shalt  }
0x43: {  	_ =	shalt  }
0x44: {  	_ =	shalt  }
0x45: {  	_ =	shalt  }
0x46: {  	_ =	shalt  }
0x47: {  	_ =	shalt  }
0x48: {  	_ =	shalt  }
0x49: {  	_ =	shalt  }
0x4a: {  	_ =	shalt  }
0x4b: {  	_ =	shalt  }
0x4c: {  	_ =	shalt  }
0x4d: {  	_ =	shalt  }
0x4e: {  	_ =	shalt  }
0x4f: {  	_ =	shalt  }
0x50: {  	_ =	shalt  }
0x51: {  	_ =	shalt  }
0x52: {  	_ =	shalt  }
0x53: {  	_ =	shalt  }
0x54: {  	_ =	shalt  }
0x55: {  	_ =	shalt  }
0x56: {  	_ =	shalt  }
0x57: {  	_ =	shalt  }
0x58: {  	_ =	shalt  }
0x59: {  	_ =	shalt  }
0x5a: {  	_ =	shalt  }
0x5b: {  	_ =	shalt  }
0x5c: {  	_ =	shalt  }
0x5d: {  	_ =	shalt  }
0x5e: {  	_ =	shalt  }
0x5f: {  	_ =	shalt  }
0x60: {  	_ =	shalt  }
0x61: {  	_ =	shalt  }
0x62: {  	_ =	shalt  }
0x63: {  	_ =	shalt  }
0x64: {  	_ =	shalt  }
0x65: {  	_ =	shalt  }
0x66: {  	_ =	shalt  }
0x67: {  	_ =	shalt  }
0x68: {  	_ =	shalt  }
0x69: {  	_ =	shalt  }
0x6a: {  	_ =	shalt  }
0x6b: {  	_ =	shalt  }
0x6c: {  	_ =	shalt  }
0x6d: {  	_ =	shalt  }
0x6e: {  	_ =	shalt  }
0x6f: {  	_ =	shalt  }
0x70: {  	_ =	shalt  }
0x71: {  	_ =	shalt  }
0x72: {  	_ =	shalt  }
0x73: {  	_ =	shalt  }
0x74: {  	_ =	shalt  }
0x75: {  	_ =	shalt  }
0x76: {  	_ =	shalt  }
0x77: {  	_ =	shalt  }
0x78: {  	_ =	shalt  }
0x79: {  	_ =	shalt  }
0x7a: {  	_ =	shalt  }
0x7b: {  	_ =	shalt  }
0x7c: {  	_ =	shalt  }
0x7d: {  	_ =	shalt  }
0x7e: {  	_ =	shalt  }
0x7f: {  	_ =	shalt  }
0x80: {  	_ =	shalt  }
0x81: {  	_ =	shalt  }
0x82: {  	_ =	shalt  }
0x83: {  	_ =	shalt  }
0x84: {  	_ =	shalt  }
0x85: {  	_ =	shalt  }
0x86: {  	_ =	shalt  }
0x87: {  	_ =	shalt  }
.Lfunc_end0:
.L_simem_size_0:
called_computation_lowered:
.L_overlay_start_0:
0x88: {  	s2 =	sld [smem:$0x3FD9]  }
0x89: {  	s3 =	sld [smem:$0x3FFE];
	_ =	sdelay $0x1  }
0x8a: {  	s1 =	srdreg.scid  }
0x8b: {  	s0 =	sand.u32 $0x1, s1  }
0x8c: {  	s17 =	sshll.u32 s0, $0xA;
	s2 =	sadd.s32 s3, s2  }
0x8d: {  	s2 =	sadd.s32 s2, s17  }
0x8e: {  	[smem:$0x3FBB] =	sst s2  }
0x8f: {  	_ = 	snop  }
0x90: {  	s2 =	sld [smem:$0x3FC6]  }
0x91: {  	s18 =	sld [smem:$0x3FC5]  }
0x92: {  	s4 =	sld [smem:$0x3FD0];
	(tm) =	ssettm $0x1  }
0x93: {  	s5 =	sld [smem:$0x3FFB];
	_ =	sdelay $0x3  }
0x94: {  	_ =	strace s5  }
0x95: {  	s5 =	sld [smem:$0x3FFC];
	_ =	sdelay $0x3  }
0x96: {  	_ =	strace s5  }
0x97: {  	s5 =	sld [smem:$0x3FFD];
	_ =	sdelay $0x3  }
0x98: {  	_ =	strace s5  }
0x99: {  	_ =	strace $0x8FFFFFFF  }
0x9a: {  	s19 =	sld [smem:$0x3FDB];
	_ =	sdelay $0x1  }
0x9b: {  	s6 =	simm.s32 $_scs_section_size  }
0x9c: {  	s7 =	simm.s32 $_size__tile_overlayer_lowered;
	s8 =	simm.s32 $_tile_overlayer_lowered  }
0x9d: {  	s22 =	simm.s32 $0x1BFF;
	s21 =	sshll.u32 s8, $0x1;
	s5 =	sadd.s32 s6, s19  }
0x9e: {  	s9 =	simm.s32 $0x0;
	s20 =	sshll.u32 s7, $0x1;
	s7 =	sadd.s32 s21, s5  }
0x9f: {  	[timem:s9], [sflag:s22] =	dma.local [hbm:s7], s20  }
0xa0: {  	_ =	swait.ge [sflag:s22], s20  }
0xa1: {  	s6 =	ssub.s32 $0x0, s20;
	[sflag:s22] =	ssyncset.done $0x0  }
0xa2: {  	[sflag:s22] =	ssyncadd.s32 s6;
	_ =	sdelay $0x1  }
0xa3: {  	s23 =	simm.s32 $0x1B8B  }
0xa4: {  	_ =	swait.ge [sflag:s23], $0x1  }
0xa5: {  	[sflag:s23] =	ssyncset.done $0x0  }
0xa6: {  	s25 =	simm.s32 $0x1B8E;
	s24 =	sld [smem:$0x3FFE];
	[sflag:s23] =	ssyncadd.s32 $0xFFFFFFFF  }
0xa7: {  	s26 =	simm.s32 $execute0_lowered;
	[smem:$0x3FD2] =	sst s25  }
0xa8: {  	s7 =	sshll.u32 s26, $0x1;
	_ =	strace $0x80000046;
	[dreg:$0x1] =	wrdreg $0xFFFFFFFF  }
0xa9: {  	s28 =	simm.s32 $_size_execute0_lowered;
	s5 =	sadd.s32 s5, s7;
	[dreg:$0x0] =	wrdreg $0x0  }
0xaa: {  	s7 =	sshll.u32 s28, $0x1;
	[dreg:$0x2] =	wrdreg s5  }
0xab: {  	[dreg:$0x3] =	wrdreg s7  }
0xac: {  	[dreg:$0x4] =	wrdreg $0xC0  }
0xad: {  	_ =	task [dreg:s9], $0x5FFFF  }
0xae: {  	[dreg:$0x1] =	wrdreg $0xFFFFFFFF  }
0xaf: {  	[dreg:$0x0] =	wrdreg $0x60  }
0xb0: {  	[dreg:$0x2] =	wrdreg s2  }
0xb1: {  	[dreg:$0x3] =	wrdreg s18  }
0xb2: {  	[dreg:$0x4] =	wrdreg s4  }
0xb3: {  	[dreg:$0x5] =	wrdreg s24  }
0xb4: {  	[dreg:$0x6] =	wrdreg $0x9  }
0xb5: {  	_ =	task.clear_ibuf [dreg:s9], $0x7FFFF;
	_ =	strace $0x90000046  }
0xb6: {  	s29 =	simm.s32 $0x9;
	_ =	strace $0x80000048  }
0xb7: {  	_ =	swait.ge [sflag:s29], $0x1  }
0xb8: {  	[sflag:s29] =	ssyncadd.s32 $0xFFFFFFFF  }
0xb9: {  	_ =	strace $0x90000048  }
0xba: {  	_ =	sfence  }
0xbb: {  	s30 =	sld [smem:$0x0];
	_ =	sdelay $0x2  }
0xbc: {  	s31 =	sshll.u32 s1, $0xD;
	s1 =	sshrl.u32 s1, $0x2  }
0xbd: {  	s3 =	sand.u32 $0x4000, s31;
	s1 =	sadd.s32 s1, s30  }
0xbe: {  	s0 =	sor.u32 s3, s0;
	s1 =	sshll.u32 s1, $0x11  }
0xbf: {  	s0 =	sor.u32 s1, s0  }
0xc0: {  	s0 =	sadd.s32 $0x8F2B, s0  }
0xc1: {  	[sflag:s0] =	ssyncadd.remote.s32 $0x1  }
0xc2: {  	_ =	sfence.sel $0xFFFF  }
0xc3: {  	[dreg:$0x0] =	wrdreg $0xFFFFFFFF;
	(pc) =	sbr.abs _section_cstart, $3  }
0xc4: {  	[dreg:$0x1] =	wrdreg $0xFFFFFFFF  }
0xc5: {  	_ =	task.clear_ibuf [dreg:s9], $0x2FFFF;
	_ =	strace $0x9FFFFFFF  }
0xc6: {  	(tm) =	ssettm $0x7FFFFFFF  }
0xc7: {  	_ =	shalt  }
tec
execute0_lowered:
.L_overlay_start_1:
0x0: {  	(tag) =	ssettag $0x1  }
0x1: {  	s0 =	rddreg [dreg:$0x0]  }
0x2: {  	s1 =	rddreg [dreg:$0x1]  }
0x3: {  	s2 =	rddreg [dreg:$0x3]  }
0x4: {  	s3 =	simm.s32 $0x0;
	s4 =	srdreg.scid;
	s12 =	stileid.u32  }
0x5: {  	s28 =	simm.s32 $0x6000;
	s29 =	simm.s32 $0x1;
	s30 =	simm.s32 $0xC000  }
0x6: {  	s31 =	simm.s32 $0x2;
	[smem:$0x7FF] =	sst s3;
	s5 =	sand.u32 $0x1, s4  }
0x7: {  	s22 =	sshll.u32 s12, $0x1;
	s6 =	sadd.s32 $0x2400, s2;
	s9 =	sadd.s32 $0x3D2E00, s2  }
0x8: {  	p0 =	slt.u32 s12, $0xB;
	s4 =	simm.s32 $0x29;
	s17 =	smul.u32 $0x600, s12  }
0x9: {  	p1 =	sgt.u32 s12, $0xA;
	s8 =	sor.u32 s5, s22;
	s20 =	smul.u32 $0x300, s5  }
0xa: {  	_ =	strace $0x80000047;
	s7 =	ssub.s32 $0x2, s5;
	s10 =	smul.u32 $0x300, s8  }
0xb: {  	s4 =	simm.s32 @!p0 $0x28;
	s23 =	sshrl.u32 s7, $0x1;
	s15 =	smul.u32 $0xC00, s8  }
0xc: {  	s22 =	sadd.s32 s17, s1;
	p0 =	sne.s32 s8, $0x0;
	s7 =	ssub.s32 s7, s23  }
0xd: {  	s23 =	smul.u32 $0x1800, s12;
	s11 =	sadd.s32 s0, s10;
	s24 =	sadd.s32 $0x6000, s10  }
0xe: {  	s13 =	sadd.s32 s1, s10;
	s10 =	sadd.s32 $0xC000, s10;
	[dreg:$0x5] =	wrdreg s11  }
0xf: {  	s26 =	sadd.s32 s6, s15;
	s19 =	sadd.s32 s9, s15;
	[dreg:$0x6] =	wrdreg s13  }
0x10: {  	s18 =	sor.u32 $0x3C0000, s15;
	s25 =	sadd.s32 s0, s24;
	[dreg:$0x8] =	wrdreg s26  }
0x11: {  	s14 =	sadd.s32 s0, s10;
	s11 =	sadd.s32 s1, s24;
	[dreg:$0xc] =	wrdreg s19  }
0x12: {  	s10 =	sadd.s32 s1, s10;
	s0 =	sadd.s32 s17, s0;
	[dreg:$0x7] =	wrdreg s25  }
0x13: {  	s24 =	sadd.s32 s6, s18;
	s18 =	sadd.s32 s9, s18;
	[dreg:$0x9] =	wrdreg s14  }
0x14: {  	s26 =	sadd.s32 s23, s6;
	s1 =	sadd.s32 s23, s9;
	[dreg:$0xb] =	wrdreg s11  }
0x15: {  	s19 =	sadd.s32 $0x2200, s2;
	s14 =	sadd.s32 $0x18000, s15;
	[dreg:$0xd] =	wrdreg s10  }
0x16: {  	[dreg:$0xf] =	wrdreg s24;
	s25 =	smul.u32 $0xC00, s5;
	s16 =	sadd.s32 s6, s14  }
0x17: {  	s15 =	sadd.s32 s20, s0;
	s21 =	sadd.s32 s9, s14;
	[dreg:$0xa] =	wrdreg s16  }
0x18: {  	[dreg:$0xe] =	wrdreg s21;
	s16 =	sadd.s32 s20, s22;
	s5 =	sadd.s32 s25, s26  }
0x19: {  	s0 =	sadd.s32 s25, s1;
	s20 =	sadd.s32 $0x3D2C00, s2;
	s21 =	sadd.s32 $0x7A3600, s2  }
0x1a: {  	s22 =	smax.u32 s7, $0x1;
	s25 =	simm.s32 $0x1800;
	s26 =	simm.s32 $0x7A1400  }
0x1b: {  	s1 =	simm.s32 $0x3;
	s2 =	simm.s32 $0x4;
	s23 =	sadd.s32 $0x48000, s5  }
0x1c: {  	s11 =	sadd.s32 $0x48000, s0;
	s0 =	simm.s32 $0x12000;
	s5 =	simm.s32 $0x0  }
.LBB2_1:
0x1d: {  	s6 =	rddreg [dreg:$0x5]  }
0x1e: {  	[tilespmem:s3], [sflag:$0x1] =	stream.strided.gather [hbm4b:s6+s25], $0x6000, s26, s25, $0x38;
	[tilespmem:$0x18000] =	vst v63  }
0x1f: {  	s10 =	rddreg [dreg:$0x7]  }
0x20: {  	[tilespmem:s28], [sflag:$0x2] =	stream.strided.gather [hbm4b:s10+s25], $0x6000, s26, s25, $0x38;
	[tilespmem:$0x18000] =	vst v63  }
0x21: {  	_ =	swait.ge [sflag:s29], $0x6000  }
0x22: {  	[sflag:s29] =	ssyncset.done $0x0  }
0x23: {  	s12 =	rddreg [dreg:$0x8];
	[sflag:s29] =	ssyncadd.s32 $0xFFFFA000  }
0x24: {  	[hbm4b:s12+s3] =	stream.linear.scatter [tilespmem:s30], [sflag:$0x3], $0x6000, $0x38;
	[tilespmem:$0x18000] =	vst v63  }
0x25: {  	s13 =	rddreg [dreg:$0x9]  }
0x26: {  	[tilespmem:s3], [sflag:$0x1] =	stream.strided.gather [hbm4b:s13+s25], $0x6000, s26, s25, $0x38;
	[tilespmem:$0x18000] =	vst v63  }
0x27: {  	_ =	swait.ge [sflag:s31], $0x6000  }
0x28: {  	[sflag:s31] =	ssyncset.done $0x0  }
0x29: {  	s17 =	sadd.s32 $0x0, s15;
	s14 =	rddreg [dreg:$0xa];
	[sflag:s31] =	ssyncadd.s32 $0xFFFFA000  }
0x2a: {  	[hbm4b:s14+s3] =	stream.linear.scatter [tilespmem:s0], [sflag:$0x4], $0x6000, $0x38;
	[tilespmem:$0x18000] =	vst v63  }
0x2b: {  	s6 =	sadd.s32 $0x12000, s17  }
0x2c: {  	[tilespmem:s28], [sflag:$0x2] =	stream.strided.gather [hbm4b:s6+s25], $0x6000, s26, s25, $0x38;
	[tilespmem:$0x18000] =	vst v63  }
0x2d: {  	_ =	swait.ge [sflag:s29], $0x6000  }
0x2e: {  	[sflag:s29] =	ssyncset.done $0x0  }
0x2f: {  	[sflag:s29] =	ssyncadd.s32 $0xFFFFA000  }
0x30: {  	_ =	swait.ge [sflag:s1], $0x6000  }
0x31: {  	s24 =	sadd.s32 $0xFFFE8000, s23;
	p2 =	sle.u32 s4, $0x4;
	[sflag:s1] =	ssyncset.done $0x0  }
0x32: {  	s7 =	sadd.s32 @!p2 $0x0, s15;
	s8 =	simm.s32 @!p2 $0x0;
	[sflag:s1] =	ssyncadd.s32 $0xFFFFA000  }
0x33: {  	[hbm4b:s24+s3] =	stream.linear.scatter [tilespmem:s30], [sflag:$0x3], $0x6000, $0x38;
	[tilespmem:$0x18000] =	vst v63  }
0x34: {  	s9 =	simm.s32 @!p2 $0x7A1400;
	s6 =	sadd.s32 @!p2 $0x18000, s7;
	s7 =	simm.s32 @!p2 $0x1800  }
0x35: {  	[tilespmem:s8], [sflag:$0x1] =	stream.strided.gather @!p2 [hbm4b:s6+s7], $0x6000, s9, s7, $0x38;
	[tilespmem:$0x18000] =	vst v63  }
0x36: {  	_ =	swait.ge [sflag:s31], $0x6000  }
0x37: {  	[sflag:s31] =	ssyncset.done $0x0  }
0x38: {  	s10 =	smov.u32 s23;
	[sflag:s31] =	ssyncadd.s32 $0xFFFFA000  }
0x39: {  	s8 =	simm.s32 $0xC000;
	s9 =	simm.s32 $0x18000;
	_ =	swait.ge [sflag:s2], $0x6000  }
0x3a: {  	s6 =	sadd.s32 $0x30000, s23;
	s7 =	simm.s32 $0x6;
	[sflag:s2] =	ssyncset.done $0x0  }
.LBB2_2:
0x3b: {  	s24 =	sadd.s32 s8, s15  }
0x3c: {  	[sflag:s2] =	ssyncadd.s32 $0xFFFFA000;
	s12 =	smov.u32 s9;
	s9 =	sadd.s32 $0xC000, s9  }
0x3d: {  	[hbm4b:s10+s3] =	stream.linear.scatter [tilespmem:s0], [sflag:$0x4], $0x6000, $0x38;
	[tilespmem:$0x18000] =	vst v63  }
0x3e: {  	p2 =	sne.s32 s9, $0xE4000;
	s24 =	sadd.s32 $0x12000, s24;
	s10 =	smov.u32 s6  }
0x3f: {  	[tilespmem:s28], [sflag:$0x2] =	stream.strided.gather [hbm4b:s24+s25], $0x6000, s26, s25, $0x38;
	[tilespmem:$0x18000] =	vst v63  }
0x40: {  	_ =	swait.ge [sflag:s29], $0x6000  }
0x41: {  	[sflag:s29] =	ssyncset.done $0x0  }
0x42: {  	[sflag:s29] =	ssyncadd.s32 $0xFFFFA000  }
0x43: {  	_ =	swait.ge [sflag:s1], $0x6000  }
0x44: {  	p3 =	sge.u32 s7, s4;
	s24 =	sadd.s32 $0xFFFE8000, s6;
	[sflag:s1] =	ssyncset.done $0x0  }
0x45: {  	s8 =	sadd.s32 @!p3 s8, s15;
	s13 =	simm.s32 @!p3 $0x0;
	[sflag:s1] =	ssyncadd.s32 $0xFFFFA000  }
0x46: {  	[hbm4b:s24+s3] =	stream.linear.scatter [tilespmem:s30], [sflag:$0x3], $0x6000, $0x38;
	[tilespmem:$0x18000] =	vst v63  }
0x47: {  	s14 =	simm.s32 @!p3 $0x7A1400;
	s8 =	sadd.s32 @!p3 $0x18000, s8;
	s24 =	simm.s32 @!p3 $0x1800  }
0x48: {  	[tilespmem:s13], [sflag:$0x1] =	stream.strided.gather @!p3 [hbm4b:s8+s24], $0x6000, s14, s24, $0x38;
	[tilespmem:$0x18000] =	vst v63  }
.Ltmp0:
0x49: {  	s8 =	smov.u32 s12;
	_ =	swait.ge [sflag:s31], $0x6000;
	(pc) =	sbr.rel @p2 .LBB2_2-.Ltmp0, $4  }
0x4a: {  	[sflag:s31] =	ssyncset.done $0x0  }
0x4b: {  	[sflag:s31] =	ssyncadd.s32 $0xFFFFA000  }
0x4c: {  	_ =	swait.ge [sflag:s2], $0x6000  }
0x4d: {  	s7 =	sadd.s32 $0x2, s7;
	s6 =	sadd.s32 $0x30000, s6;
	[sflag:s2] =	ssyncset.done $0x0  }
0x4e: {  	s9 =	sadd.s32 s8, s15;
	[sflag:s2] =	ssyncadd.s32 $0xFFFFA000  }
0x4f: {  	[hbm4b:s10+s3] =	stream.linear.scatter [tilespmem:s0], [sflag:$0x4], $0x6000, $0x38;
	[tilespmem:$0x18000] =	vst v63  }
0x50: {  	s9 =	sadd.s32 $0x12000, s9  }
0x51: {  	[tilespmem:s28], [sflag:$0x2] =	stream.strided.gather [hbm4b:s9+s25], $0x6000, s26, s25, $0x38;
	[tilespmem:$0x18000] =	vst v63  }
0x52: {  	_ =	swait.ge [sflag:s29], $0x6000  }
0x53: {  	[sflag:s29] =	ssyncset.done $0x0  }
0x54: {  	[sflag:s29] =	ssyncadd.s32 $0xFFFFA000  }
0x55: {  	_ =	swait.ge [sflag:s1], $0x6000  }
0x56: {  	s17 =	sadd.s32 $0xFFFE8000, s6;
	p2 =	sge.u32 s7, s4;
	[sflag:s1] =	ssyncset.done $0x0  }
0x57: {  	s7 =	sadd.s32 @!p2 s8, s15;
	s8 =	simm.s32 @!p2 $0x0;
	[sflag:s1] =	ssyncadd.s32 $0xFFFFA000  }
0x58: {  	[hbm4b:s17+s3] =	stream.linear.scatter [tilespmem:s30], [sflag:$0x3], $0x6000, $0x38;
	[tilespmem:$0x18000] =	vst v63  }
0x59: {  	s10 =	simm.s32 @!p2 $0x7A1400;
	s7 =	sadd.s32 @!p2 $0x18000, s7;
	s9 =	simm.s32 @!p2 $0x1800  }
0x5a: {  	[tilespmem:s8], [sflag:$0x1] =	stream.strided.gather @!p2 [hbm4b:s7+s9], $0x6000, s10, s9, $0x38;
	[tilespmem:$0x18000] =	vst v63  }
0x5b: {  	_ =	swait.ge [sflag:s31], $0x6000  }
0x5c: {  	[sflag:s31] =	ssyncset.done $0x0  }
0x5d: {  	[sflag:s31] =	ssyncadd.s32 $0xFFFFA000  }
0x5e: {  	_ =	swait.ge [sflag:s2], $0x6000  }
0x5f: {  	[sflag:s2] =	ssyncset.done $0x0  }
0x60: {  	[sflag:s2] =	ssyncadd.s32 $0xFFFFA000  }
0x61: {  	[hbm4b:s6+s3] =	stream.linear.scatter [tilespmem:s0], [sflag:$0x4], $0x6000, $0x38;
	[tilespmem:$0x18000] =	vst v63  }
0x62: {  	s6 =	simm.s32 @!p1 $0x1  }
0x63: {  	_ =	swait.ge @!p1 [sflag:s6], $0x6000  }
0x64: {  	[sflag:s6] =	ssyncset.done @!p1 $0x0  }
0x65: {  	[sflag:s6] =	ssyncadd.s32 @!p1 $0xFFFFA000;
	s6 =	simm.s32 @!p1 $0x3  }
0x66: {  	_ =	swait.ge @!p1 [sflag:s6], $0x6000  }
0x67: {  	s7 =	simm.s32 @!p1 $0xC000;
	[sflag:s6] =	ssyncset.done @!p1 $0x0  }
0x68: {  	s8 =	rddreg [dreg:$0xf];
	[sflag:s6] =	ssyncadd.s32 @!p1 $0xFFFFA000;
	s6 =	simm.s32 @!p1 $0x0  }
0x69: {  	[hbm4b:s8+s6] =	stream.linear.scatter @!p1 [tilespmem:s7], [sflag:$0x3], $0x6000, $0x38;
	[tilespmem:$0x18000] =	vst v63  }
0x6a: {  	_ =	swait.ge [sflag:s1], $0x6000  }
0x6b: {  	[sflag:s1] =	ssyncset.done $0x0  }
0x6c: {  	[sflag:s1] =	ssyncadd.s32 $0xFFFFA000  }
0x6d: {  	_ =	swait.ge [sflag:s2], $0x6000  }
0x6e: {  	s6 =	stileid.u32;
	[sflag:s2] =	ssyncset.done $0x0  }
0x6f: {  	s6 =	sshll.u32 @!p0 s6, $0x6;
	[sflag:s2] =	ssyncadd.s32 $0xFFFFA000  }
0x70: {  	s6 =	sor.u32 @!p0 $0x1C05, s6;
	s7 =	rddreg [dreg:$0x2]  }
0x71: {  	[hbm:s20], [sflag:s6] =	dma.local @!p0 [hbm:s7], $0x100  }
0x72: {  	s7 =	simm.s32 @!p0 $0x5  }
0x73: {  	_ =	swait.ge @!p0 [sflag:s7], $0x100  }
0x74: {  	[sflag:s7] =	ssyncset.done @!p0 $0x0  }
0x75: {  	s24 =	simm.s32 $0x0;
	s9 =	rddreg [dreg:$0x6];
	[sflag:s7] =	ssyncadd.s32 @!p0 $0xFFFFFF00  }
0x76: {  	[tilespmem:s24], [sflag:$0x1] =	stream.strided.gather [hbm4b:s9+s25], $0x6000, s26, s25, $0x38;
	[tilespmem:$0x18000] =	vst v63  }
0x77: {  	s10 =	rddreg [dreg:$0xb]  }
0x78: {  	[tilespmem:s28], [sflag:$0x2] =	stream.strided.gather [hbm4b:s10+s25], $0x6000, s26, s25, $0x38;
	[tilespmem:$0x18000] =	vst v63  }
0x79: {  	_ =	swait.ge [sflag:s29], $0x6000  }
0x7a: {  	[sflag:s29] =	ssyncset.done $0x0  }
0x7b: {  	s12 =	rddreg [dreg:$0xc];
	[sflag:s29] =	ssyncadd.s32 $0xFFFFA000  }
0x7c: {  	[hbm4b:s12+s24] =	stream.linear.scatter [tilespmem:s30], [sflag:$0x3], $0x6000, $0x38;
	[tilespmem:$0x18000] =	vst v63  }
0x7d: {  	s13 =	rddreg [dreg:$0xd]  }
0x7e: {  	[tilespmem:s24], [sflag:$0x1] =	stream.strided.gather [hbm4b:s13+s25], $0x6000, s26, s25, $0x38;
	[tilespmem:$0x18000] =	vst v63  }
0x7f: {  	_ =	swait.ge [sflag:s31], $0x6000  }
0x80: {  	[sflag:s31] =	ssyncset.done $0x0  }
0x81: {  	s17 =	sadd.s32 $0x0, s16;
	s14 =	rddreg [dreg:$0xe];
	[sflag:s31] =	ssyncadd.s32 $0xFFFFA000  }
0x82: {  	[hbm4b:s14+s24] =	stream.linear.scatter [tilespmem:s0], [sflag:$0x4], $0x6000, $0x38;
	[tilespmem:$0x18000] =	vst v63  }
0x83: {  	s7 =	sadd.s32 $0x12000, s17  }
0x84: {  	[tilespmem:s28], [sflag:$0x2] =	stream.strided.gather [hbm4b:s7+s25], $0x6000, s26, s25, $0x38;
	[tilespmem:$0x18000] =	vst v63  }
0x85: {  	_ =	swait.ge [sflag:s29], $0x6000  }
0x86: {  	[sflag:s29] =	ssyncset.done $0x0  }
0x87: {  	[sflag:s29] =	ssyncadd.s32 $0xFFFFA000  }
0x88: {  	p2 =	sle.u32 s4, $0x4;
	_ =	swait.ge [sflag:s1], $0x6000  }
0x89: {  	s8 =	sadd.s32 @!p2 $0x0, s16;
	[sflag:s1] =	ssyncset.done $0x0  }
0x8a: {  	s9 =	simm.s32 @!p2 $0x0;
	s24 =	sadd.s32 $0xFFFE8000, s11;
	[sflag:s1] =	ssyncadd.s32 $0xFFFFA000  }
0x8b: {  	[hbm4b:s24+s3] =	stream.linear.scatter [tilespmem:s30], [sflag:$0x3], $0x6000, $0x38;
	[tilespmem:$0x18000] =	vst v63  }
0x8c: {  	s10 =	simm.s32 @!p2 $0x7A1400;
	s7 =	sadd.s32 @!p2 $0x18000, s8;
	s8 =	simm.s32 @!p2 $0x1800  }
0x8d: {  	[tilespmem:s9], [sflag:$0x1] =	stream.strided.gather @!p2 [hbm4b:s7+s8], $0x6000, s10, s8, $0x38;
	[tilespmem:$0x18000] =	vst v63  }
0x8e: {  	_ =	swait.ge [sflag:s31], $0x6000  }
0x8f: {  	[sflag:s31] =	ssyncset.done $0x0  }
0x90: {  	s24 =	smov.u32 s11;
	[sflag:s31] =	ssyncadd.s32 $0xFFFFA000  }
0x91: {  	s9 =	simm.s32 $0xC000;
	s10 =	simm.s32 $0x18000;
	_ =	swait.ge [sflag:s2], $0x6000  }
0x92: {  	s7 =	sadd.s32 $0x30000, s11;
	s8 =	simm.s32 $0x6;
	[sflag:s2] =	ssyncset.done $0x0  }
.LBB2_4:
0x93: {  	s12 =	sadd.s32 s9, s16  }
0x94: {  	[sflag:s2] =	ssyncadd.s32 $0xFFFFA000;
	s13 =	smov.u32 s10;
	s10 =	sadd.s32 $0xC000, s10  }
0x95: {  	[hbm4b:s24+s3] =	stream.linear.scatter [tilespmem:s0], [sflag:$0x4], $0x6000, $0x38;
	[tilespmem:$0x18000] =	vst v63  }
0x96: {  	p2 =	sne.s32 s10, $0xE4000;
	s12 =	sadd.s32 $0x12000, s12;
	s24 =	smov.u32 s7  }
0x97: {  	[tilespmem:s28], [sflag:$0x2] =	stream.strided.gather [hbm4b:s12+s25], $0x6000, s26, s25, $0x38;
	[tilespmem:$0x18000] =	vst v63  }
0x98: {  	_ =	swait.ge [sflag:s29], $0x6000  }
0x99: {  	[sflag:s29] =	ssyncset.done $0x0  }
0x9a: {  	[sflag:s29] =	ssyncadd.s32 $0xFFFFA000  }
0x9b: {  	_ =	swait.ge [sflag:s1], $0x6000  }
0x9c: {  	p3 =	sge.u32 s8, s4;
	s12 =	sadd.s32 $0xFFFE8000, s7;
	[sflag:s1] =	ssyncset.done $0x0  }
0x9d: {  	s9 =	sadd.s32 @!p3 s9, s16;
	s14 =	simm.s32 @!p3 $0x0;
	[sflag:s1] =	ssyncadd.s32 $0xFFFFA000  }
0x9e: {  	[hbm4b:s12+s3] =	stream.linear.scatter [tilespmem:s30], [sflag:$0x3], $0x6000, $0x38;
	[tilespmem:$0x18000] =	vst v63  }
0x9f: {  	s17 =	simm.s32 @!p3 $0x7A1400;
	s9 =	sadd.s32 @!p3 $0x18000, s9;
	s12 =	simm.s32 @!p3 $0x1800  }
0xa0: {  	[tilespmem:s14], [sflag:$0x1] =	stream.strided.gather @!p3 [hbm4b:s9+s12], $0x6000, s17, s12, $0x38;
	[tilespmem:$0x18000] =	vst v63  }
.Ltmp1:
0xa1: {  	s9 =	smov.u32 s13;
	_ =	swait.ge [sflag:s31], $0x6000;
	(pc) =	sbr.rel @p2 .LBB2_4-.Ltmp1, $4  }
0xa2: {  	[sflag:s31] =	ssyncset.done $0x0  }
0xa3: {  	[sflag:s31] =	ssyncadd.s32 $0xFFFFA000  }
0xa4: {  	_ =	swait.ge [sflag:s2], $0x6000  }
0xa5: {  	s8 =	sadd.s32 $0x2, s8;
	s7 =	sadd.s32 $0x30000, s7;
	[sflag:s2] =	ssyncset.done $0x0  }
0xa6: {  	s10 =	sadd.s32 s9, s16;
	[sflag:s2] =	ssyncadd.s32 $0xFFFFA000  }
0xa7: {  	[hbm4b:s24+s3] =	stream.linear.scatter [tilespmem:s0], [sflag:$0x4], $0x6000, $0x38;
	[tilespmem:$0x18000] =	vst v63  }
0xa8: {  	s10 =	sadd.s32 $0x12000, s10  }
0xa9: {  	[tilespmem:s28], [sflag:$0x2] =	stream.strided.gather [hbm4b:s10+s25], $0x6000, s26, s25, $0x38;
	[tilespmem:$0x18000] =	vst v63  }
0xaa: {  	_ =	swait.ge [sflag:s29], $0x6000  }
0xab: {  	[sflag:s29] =	ssyncset.done $0x0  }
0xac: {  	[sflag:s29] =	ssyncadd.s32 $0xFFFFA000  }
0xad: {  	_ =	swait.ge [sflag:s1], $0x6000  }
0xae: {  	p2 =	sge.u32 s8, s4;
	s24 =	sadd.s32 $0xFFFE8000, s7;
	[sflag:s1] =	ssyncset.done $0x0  }
0xaf: {  	s8 =	sadd.s32 @!p2 s9, s16;
	s9 =	simm.s32 @!p2 $0x0;
	[sflag:s1] =	ssyncadd.s32 $0xFFFFA000  }
0xb0: {  	[hbm4b:s24+s3] =	stream.linear.scatter [tilespmem:s30], [sflag:$0x3], $0x6000, $0x38;
	[tilespmem:$0x18000] =	vst v63  }
0xb1: {  	s12 =	simm.s32 @!p2 $0x7A1400;
	s8 =	sadd.s32 @!p2 $0x18000, s8;
	s10 =	simm.s32 @!p2 $0x1800  }
0xb2: {  	[tilespmem:s9], [sflag:$0x1] =	stream.strided.gather @!p2 [hbm4b:s8+s10], $0x6000, s12, s10, $0x38;
	[tilespmem:$0x18000] =	vst v63  }
0xb3: {  	_ =	swait.ge [sflag:s31], $0x6000  }
0xb4: {  	[sflag:s31] =	ssyncset.done $0x0  }
0xb5: {  	[sflag:s31] =	ssyncadd.s32 $0xFFFFA000  }
0xb6: {  	_ =	swait.ge [sflag:s2], $0x6000  }
0xb7: {  	[sflag:s2] =	ssyncset.done $0x0  }
0xb8: {  	[sflag:s2] =	ssyncadd.s32 $0xFFFFA000  }
0xb9: {  	[hbm4b:s7+s3] =	stream.linear.scatter [tilespmem:s0], [sflag:$0x4], $0x6000, $0x38;
	[tilespmem:$0x18000] =	vst v63  }
0xba: {  	s7 =	simm.s32 @!p1 $0x1  }
0xbb: {  	_ =	swait.ge @!p1 [sflag:s7], $0x6000  }
0xbc: {  	[sflag:s7] =	ssyncset.done @!p1 $0x0  }
0xbd: {  	[sflag:s7] =	ssyncadd.s32 @!p1 $0xFFFFA000;
	s7 =	simm.s32 @!p1 $0x3  }
0xbe: {  	_ =	swait.ge @!p1 [sflag:s7], $0x6000  }
0xbf: {  	[sflag:s7] =	ssyncset.done @!p1 $0x0  }
0xc0: {  	s8 =	simm.s32 @!p1 $0xC000;
	[sflag:s7] =	ssyncadd.s32 @!p1 $0xFFFFA000;
	s7 =	simm.s32 @!p1 $0x0  }
0xc1: {  	[hbm4b:s18+s7] =	stream.linear.scatter @!p1 [tilespmem:s8], [sflag:$0x3], $0x6000, $0x38;
	[tilespmem:$0x18000] =	vst v63  }
0xc2: {  	_ =	swait.ge [sflag:s1], $0x6000  }
0xc3: {  	[sflag:s1] =	ssyncset.done $0x0  }
0xc4: {  	[sflag:s1] =	ssyncadd.s32 $0xFFFFA000  }
0xc5: {  	_ =	swait.ge [sflag:s2], $0x6000  }
0xc6: {  	s5 =	sadd.s32 $0x1, s5;
	[sflag:s2] =	ssyncset.done $0x0  }
0xc7: {  	p2 =	sne.s32 s5, s22;
	[sflag:s2] =	ssyncadd.s32 $0xFFFFA000  }
0xc8: {  	[hbm:s21], [sflag:s6] =	dma.local @!p0 [hbm:s19], $0x100  }
.Ltmp2:
0xc9: {  	_ = 	snop;
	(pc) =	sbr.rel @p2 .LBB2_1-.Ltmp2, $4  }
0xca: {  	s6 =	simm.s32 @!p0 $0x5  }
0xcb: {  	_ =	swait.ge @!p0 [sflag:s6], $0x100  }
0xcc: {  	[sflag:s6] =	ssyncset.done @!p0 $0x0  }
0xcd: {  	[sflag:s6] =	ssyncadd.s32 @!p0 $0xFFFFFF00  }
0xce: {  	_ =	sfence.sel $0x180000  }
0xcf: {  	[bflag:$0x0] =	sbarrier.arrive $0xFFFF  }
0xd0: {  	_ =	strace $0x90000047  }
0xd1: {  	s0 =	stileid.u32;
	[bflag:$0x2] =	sbarrier.arrive $0xFFFF  }
0xd2: {  	p0 =	sne.s32 s0, $0x0;
	s0 =	rddreg [dreg:$0x4]  }
0xd3: {  	s0 =	sadd.s32 @!p0 $0x100000, s0  }
0xd4: {  	[sflag:s0] =	ssyncadd.tile.s32 @!p0 $0x1;
	_ =	shalt  }
.Lfunc_end2:
_tile_overlayer_lowered:
.L_overlay_start_2:
0xd5: {  	(tag) =	ssettag $0x2  }
0xd6: {  	s0 =	rddreg [dreg:$0x0];
	s2 =	stileid.u32  }
0xd7: {  	s1 =	rddreg [dreg:$0x1];
	p0 =	sne.s32 s2, $0x0  }
0xd8: {  	s3 =	rddreg [dreg:$0x2];
	[bflag:$0x3] =	sbarrier.arrive $0xFFFF;
	s2 =	simm.s32 @!p0 $0x1C05  }
0xd9: {  	[timem:s3], [sflag:s2] =	dma.local @!p0 [hbm:s0], s1  }
0xda: {  	s0 =	simm.s32 @!p0 $0x5  }
0xdb: {  	_ =	swait.ge @!p0 [sflag:s0], s1  }
0xdc: {  	s1 =	ssub.s32 @!p0 $0x0, s1;
	[sflag:s0] =	ssyncset.done @!p0 $0x0  }
0xdd: {  	[sflag:s0] =	ssyncadd.s32 @!p0 s1  }
0xde: {  	[bflag:$0x3] =	sbarrier.arrive $0xFFFF  }
0xdf: {  	_ =	shalt  }

// kernel: kernel.9.cloned.1.call-start
scs
__scs_entry_jumppad:
0x0: {  	(pc) =	sbr.rel $0x88, $3  }
0x1: {  	(tag) =	ssettag $0x0;
	lr =	simm.s32 $0x1  }
0x2: {  	[smem:$0x3F94] =	sst lr;
	_ =	strace $0xD0000000  }
0x3: {  	_ = 	snop  }
0x4: {  	_ = 	snop  }
0x5: {  	_ = 	snop  }
0x6: {  	_ = 	snop  }
0x7: {  	_ = 	snop  }
__scs_overlays_trampoline_lowered:
0x8: {  	[smem:$0x3FA3] =	sst s0  }
0x9: {  	[smem:$0x3FA4] =	sst s1  }
0xa: {  	[smem:$0x3FA5] =	sst s2  }
0xb: {  	[smem:$0x3FA6] =	sst s3  }
0xc: {  	[smem:$0x3FA7] =	sst s4  }
0xd: {  	[smem:$0x3FA8] =	sst s5  }
0xe: {  	[smem:$0x3FA9] =	sst s6  }
0xf: {  	[smem:$0x3FAA] =	sst s7  }
0x10: {  	[smem:$0x3FAB] =	sst s8  }
0x11: {  	[smem:$0x3FAC] =	sst s9;
	s0 =	simm.s32 @!p0 $0x0  }
0x12: {  	s1 =	sld [smem:$0x3F92];
	s0 =	simm.s32 @p0 $0x1  }
0x13: {  	[smem:$0x3FAD] =	sst s0;
	s0 =	simm.s32 @!p1 $0x0  }
0x14: {  	s2 =	sld [smem:$0x3F91];
	s0 =	simm.s32 @p1 $0x1  }
0x15: {  	[smem:$0x3FAE] =	sst s0;
	s0 =	simm.s32 @!p2 $0x0  }
0x16: {  	s3 =	sld [smem:$0x3FDB];
	s0 =	simm.s32 @p2 $0x1  }
0x17: {  	s4 =	simm.s32 $0x1BF5;
	[smem:$0x3FB0] =	sst s0  }
0x18: {  	s0 =	sld [smem:$0x3F93];
	_ =	swait.ge [sflag:s4], $0x0  }
0x19: {  	s7 =	sld [smem:$0x3F94]  }
0x1a: {  	s8 =	sadd.s32 $0xFFFFE003, lr  }
0x1b: {  	s9 =	sadd.s32 $0xFFFFFEF7, lr;
	s5 =	simm.s32 $0xFFFFFFFF;
	p2 =	slt.u32 s8, $0xFFFFF086  }
0x1c: {  	p1 =	slt.u32 s9, $0xF7A;
	s5 =	simm.s32 @!p2 $0x0  }
0x1d: {  	s5 =	simm.s32 @p1 $0x1;
	p0 =	seq.s32 s7, s2  }
0x1e: {  	s7 =	smul.u32 @!p0 $0xF7A, s2;
	p2 =	seq.s32 @!p0 s5, $0x0  }
0x1f: {  	s9 =	smul.u32 $0xF7A, s1;
	s8 =	simm.s32 @!p0 $0x1BF5;
	p2 =	por !p2, p0  }
0x20: {  	[sflag:s8] =	ssyncset.s32 @!p0 $0xFFFFF086;
	s6 =	sadd.s32 @!p0 s3, s7;
	s7 =	simm.s32 @!p0 $0x108  }
0x21: {  	s3 =	sadd.s32 s3, s9;
	s6 =	sadd.s32 @!p0 $0x88, s6;
	s7 =	simm.s32 @p2 $0x1082  }
0x22: {  	[simem:s7], [sflag:s8] =	dma.local @!p0 [hbm:s6], $0xF7A  }
0x23: {  	s9 =	sor.u32 $0xD0000000, s2;
	s6 =	simm.s32 $0x108;
	_ =	swait.ge @!p0 [sflag:s8], $0x0  }
0x24: {  	s3 =	sadd.s32 $0x88, s3;
	s6 =	simm.s32 @!p1 $0x1082;
	[sflag:s4] =	ssyncset.s32 $0xFFFFF086  }
0x25: {  	[simem:s6], [sflag:s4] =	dma.local [hbm:s3], $0xF7A  }
0x26: {  	[smem:$0x3F94] =	sst s1;
	(tag) =	ssettag s2;
	_ =	strace s9  }
0x27: {  	s1 =	sld [smem:$0x3FA4]  }
0x28: {  	s2 =	sld [smem:$0x3FA5]  }
0x29: {  	s4 =	sld [smem:$0x3FA7]  }
0x2a: {  	p0 =	seq.s32 s5, $0x0;
	s5 =	sld [smem:$0x3FA8]  }
0x2b: {  	s6 =	sld [smem:$0x3FA9]  }
0x2c: {  	s7 =	sld [smem:$0x3FAA]  }
0x2d: {  	s3 =	simm.s32 $0x108;
	s8 =	sld [smem:$0x3FAB]  }
0x2e: {  	s3 =	simm.s32 @!p0 $0x1082;
	s9 =	sld [smem:$0x3FAC]  }
0x2f: {  	lr =	sadd.s32 s0, s3;
	s0 =	sld [smem:$0x3FA3]  }
0x30: {  	s3 =	sld [smem:$0x3FA6]  }
0x31: {  	[smem:$0x3FAF] =	sst s10  }
0x32: {  	s10 =	sld [smem:$0x3FAD];
	_ =	sdelay $0x3  }
0x33: {  	p0 =	seq.s32 s10, $0x1;
	s10 =	sld [smem:$0x3FAF];
	_ =	sdelay $0x3  }
0x34: {  	[smem:$0x3FAF] =	sst s10  }
0x35: {  	s10 =	sld [smem:$0x3FAE];
	_ =	sdelay $0x3  }
0x36: {  	p1 =	seq.s32 s10, $0x1;
	s10 =	sld [smem:$0x3FAF];
	_ =	sdelay $0x3  }
0x37: {  	[smem:$0x3FAF] =	sst s10  }
0x38: {  	s10 =	sld [smem:$0x3FB0]  }
0x39: {  	_ = 	snop;
	(pc) =	sbr.ind lr, $3  }
0x3a: {  	_ = 	snop  }
0x3b: {  	_ = 	snop  }
0x3c: {  	p2 =	seq.s32 s10, $0x1;
	s10 =	sld [smem:$0x3FAF]  }
0x3d: {  	_ =	shalt  }
0x3e: {  	_ =	shalt  }
0x3f: {  	_ =	shalt  }
0x40: {  	_ =	shalt  }
0x41: {  	_ =	shalt  }
0x42: {  	_ =	shalt  }
0x43: {  	_ =	shalt  }
0x44: {  	_ =	shalt  }
0x45: {  	_ =	shalt  }
0x46: {  	_ =	shalt  }
0x47: {  	_ =	shalt  }
0x48: {  	_ =	shalt  }
0x49: {  	_ =	shalt  }
0x4a: {  	_ =	shalt  }
0x4b: {  	_ =	shalt  }
0x4c: {  	_ =	shalt  }
0x4d: {  	_ =	shalt  }
0x4e: {  	_ =	shalt  }
0x4f: {  	_ =	shalt  }
0x50: {  	_ =	shalt  }
0x51: {  	_ =	shalt  }
0x52: {  	_ =	shalt  }
0x53: {  	_ =	shalt  }
0x54: {  	_ =	shalt  }
0x55: {  	_ =	shalt  }
0x56: {  	_ =	shalt  }
0x57: {  	_ =	shalt  }
0x58: {  	_ =	shalt  }
0x59: {  	_ =	shalt  }
0x5a: {  	_ =	shalt  }
0x5b: {  	_ =	shalt  }
0x5c: {  	_ =	shalt  }
0x5d: {  	_ =	shalt  }
0x5e: {  	_ =	shalt  }
0x5f: {  	_ =	shalt  }
0x60: {  	_ =	shalt  }
0x61: {  	_ =	shalt  }
0x62: {  	_ =	shalt  }
0x63: {  	_ =	shalt  }
0x64: {  	_ =	shalt  }
0x65: {  	_ =	shalt  }
0x66: {  	_ =	shalt  }
0x67: {  	_ =	shalt  }
0x68: {  	_ =	shalt  }
0x69: {  	_ =	shalt  }
0x6a: {  	_ =	shalt  }
0x6b: {  	_ =	shalt  }
0x6c: {  	_ =	shalt  }
0x6d: {  	_ =	shalt  }
0x6e: {  	_ =	shalt  }
0x6f: {  	_ =	shalt  }
0x70: {  	_ =	shalt  }
0x71: {  	_ =	shalt  }
0x72: {  	_ =	shalt  }
0x73: {  	_ =	shalt  }
0x74: {  	_ =	shalt  }
0x75: {  	_ =	shalt  }
0x76: {  	_ =	shalt  }
0x77: {  	_ =	shalt  }
0x78: {  	_ =	shalt  }
0x79: {  	_ =	shalt  }
0x7a: {  	_ =	shalt  }
0x7b: {  	_ =	shalt  }
0x7c: {  	_ =	shalt  }
0x7d: {  	_ =	shalt  }
0x7e: {  	_ =	shalt  }
0x7f: {  	_ =	shalt  }
0x80: {  	_ =	shalt  }
0x81: {  	_ =	shalt  }
0x82: {  	_ =	shalt  }
0x83: {  	_ =	shalt  }
0x84: {  	_ =	shalt  }
0x85: {  	_ =	shalt  }
0x86: {  	_ =	shalt  }
0x87: {  	_ =	shalt  }
.Lfunc_end0:
.L_simem_size_0:
called_computation.1_lowered:
.L_overlay_start_0:
0x88: {  	s2 =	sld [smem:$0x3FD9]  }
0x89: {  	s3 =	sld [smem:$0x3FFE];
	_ =	sdelay $0x1  }
0x8a: {  	s1 =	srdreg.scid  }
0x8b: {  	s0 =	sand.u32 $0x1, s1  }
0x8c: {  	s17 =	sshll.u32 s0, $0xA;
	s2 =	sadd.s32 s3, s2  }
0x8d: {  	s2 =	sadd.s32 s2, s17  }
0x8e: {  	[smem:$0x3FBB] =	sst s2  }
0x8f: {  	_ = 	snop  }
0x90: {  	s2 =	sld [smem:$0x3FC9]  }
0x91: {  	s18 =	sld [smem:$0x3FC8];
	(tm) =	ssettm $0x1  }
0x92: {  	s4 =	sld [smem:$0x3FFB];
	_ =	sdelay $0x3  }
0x93: {  	_ =	strace s4  }
0x94: {  	s4 =	sld [smem:$0x3FFC];
	_ =	sdelay $0x3  }
0x95: {  	_ =	strace s4  }
0x96: {  	s4 =	sld [smem:$0x3FFD];
	_ =	sdelay $0x3  }
0x97: {  	_ =	strace s4  }
0x98: {  	_ =	strace $0x8FFFFFFF  }
0x99: {  	s19 =	sld [smem:$0x3FDB];
	_ =	sdelay $0x1  }
0x9a: {  	s5 =	simm.s32 $_scs_section_size  }
0x9b: {  	s6 =	simm.s32 $_size__tile_overlayer_lowered;
	s7 =	simm.s32 $_tile_overlayer_lowered  }
0x9c: {  	s22 =	simm.s32 $0x1BFF;
	s21 =	sshll.u32 s7, $0x1;
	s4 =	sadd.s32 s5, s19  }
0x9d: {  	s8 =	simm.s32 $0x0;
	s20 =	sshll.u32 s6, $0x1;
	s6 =	sadd.s32 s21, s4  }
0x9e: {  	[timem:s8], [sflag:s22] =	dma.local [hbm:s6], s20  }
0x9f: {  	_ =	swait.ge [sflag:s22], s20  }
0xa0: {  	s5 =	ssub.s32 $0x0, s20;
	[sflag:s22] =	ssyncset.done $0x0  }
0xa1: {  	[sflag:s22] =	ssyncadd.s32 s5;
	_ =	sdelay $0x1  }
0xa2: {  	s23 =	simm.s32 $0x1B8B  }
0xa3: {  	_ =	swait.ge [sflag:s23], $0x1  }
0xa4: {  	[sflag:s23] =	ssyncset.done $0x0  }
0xa5: {  	s25 =	simm.s32 $0x1B8E;
	s24 =	sld [smem:$0x3FFE];
	[sflag:s23] =	ssyncadd.s32 $0xFFFFFFFF  }
0xa6: {  	s26 =	simm.s32 $execute0_lowered;
	[smem:$0x3FD2] =	sst s25  }
0xa7: {  	s6 =	sshll.u32 s26, $0x1;
	_ =	strace $0x80000049;
	[dreg:$0x1] =	wrdreg $0xFFFFFFFF  }
0xa8: {  	s28 =	simm.s32 $_size_execute0_lowered;
	s4 =	sadd.s32 s4, s6;
	[dreg:$0x0] =	wrdreg $0x0  }
0xa9: {  	s6 =	sshll.u32 s28, $0x1;
	[dreg:$0x2] =	wrdreg s4  }
0xaa: {  	[dreg:$0x3] =	wrdreg s6  }
0xab: {  	[dreg:$0x4] =	wrdreg $0xC0  }
0xac: {  	_ =	task [dreg:s8], $0x5FFFF  }
0xad: {  	[dreg:$0x1] =	wrdreg $0xFFFFFFFF  }
0xae: {  	[dreg:$0x0] =	wrdreg $0x60  }
0xaf: {  	[dreg:$0x2] =	wrdreg s24  }
0xb0: {  	[dreg:$0x3] =	wrdreg s2  }
0xb1: {  	[dreg:$0x4] =	wrdreg s18  }
0xb2: {  	[dreg:$0x5] =	wrdreg $0x9  }
0xb3: {  	_ =	task.clear_ibuf [dreg:s8], $0x6FFFF;
	_ =	strace $0x90000049  }
0xb4: {  	s29 =	simm.s32 $0x9;
	_ =	strace $0x8000004B  }
0xb5: {  	_ =	swait.ge [sflag:s29], $0x1  }
0xb6: {  	[sflag:s29] =	ssyncadd.s32 $0xFFFFFFFF  }
0xb7: {  	_ =	strace $0x9000004B  }
0xb8: {  	_ =	sfence  }
0xb9: {  	s30 =	sld [smem:$0x0];
	_ =	sdelay $0x2  }
0xba: {  	s31 =	sshll.u32 s1, $0xD;
	s1 =	sshrl.u32 s1, $0x2  }
0xbb: {  	s3 =	sand.u32 $0x4000, s31;
	s1 =	sadd.s32 s1, s30  }
0xbc: {  	s0 =	sor.u32 s3, s0;
	s1 =	sshll.u32 s1, $0x11  }
0xbd: {  	s0 =	sor.u32 s1, s0  }
0xbe: {  	s0 =	sadd.s32 $0x8F2B, s0  }
0xbf: {  	[sflag:s0] =	ssyncadd.remote.s32 $0x1  }
0xc0: {  	_ =	sfence.sel $0xFFFF  }
0xc1: {  	[dreg:$0x0] =	wrdreg $0xFFFFFFFF;
	(pc) =	sbr.abs _section_cstart, $3  }
0xc2: {  	[dreg:$0x1] =	wrdreg $0xFFFFFFFF  }
0xc3: {  	_ =	task.clear_ibuf [dreg:s8], $0x2FFFF;
	_ =	strace $0x9FFFFFFF  }
0xc4: {  	(tm) =	ssettm $0x7FFFFFFF  }
0xc5: {  	_ =	shalt  }
tec
execute0_lowered:
.L_overlay_start_1:
0x0: {  	(tag) =	ssettag $0x1  }
0x1: {  	s24 =	rddreg [dreg:$0x0]  }
0x2: {  	s3 =	rddreg [dreg:$0x1]  }
0x3: {  	s1 =	srdreg.scid;
	s0 =	stileid.u32  }
0x4: {  	s5 =	rddreg [dreg:$0x2];
	s25 =	sand.u32 $0x1, s1;
	s4 =	sshll.u32 s0, $0x1  }
0x5: {  	s2 =	simm.s32 $0x0;
	s1 =	rddreg [dreg:$0x3];
	s26 =	sor.u32 s25, s4  }
0x6: {  	[smem:$0x7FF] =	sst s2;
	s6 =	sshll.u32 s26, $0x6  }
0x7: {  	_ =	strace $0x8000004A;
	s4 =	sadd.s32 s3, s6;
	s3 =	simm.s32 $0x2  }
0x8: {  	[tilespmem:s2], [sflag:$0x2] =	stream.linear.gather [hbm4b:s4+s2], $0x200, $0x38;
	[tilespmem:$0x8400] =	vst v63  }
0x9: {  	_ =	swait.ge [sflag:s3], $0x200  }
0xa: {  	[sflag:s3] =	ssyncset.done $0x0  }
0xb: {  	s5 =	sadd.s32 s5, s6;
	s6 =	simm.s32 $0x200;
	[sflag:s3] =	ssyncadd.s32 $0xFFFFFE00  }
0xc: {  	[tilespmem:s6], [sflag:$0x2] =	stream.linear.gather [hbm4b:s5+s2], $0x200, $0x38;
	[tilespmem:$0x8400] =	vst v63  }
0xd: {  	_ =	swait.ge [sflag:s3], $0x200  }
0xe: {  	s8 =	simm.s32 $0x80;
	[sflag:s3] =	ssyncset.done $0x0  }
0xf: {  	s9 =	simm.s32 $0x400;
	s7 =	sadd.s32 $0x2400, s24;
	[sflag:s3] =	ssyncadd.s32 $0xFFFFFE00  }
0x10: {  	[tilespmem:s9], [sflag:$0x1] =	stream.indirect.gather [hbm4b:s7+s8], $0x20, s2, s8, $0xb8;
	[tilespmem:$0x8400] =	vst v63  }
0x11: {  	s11 =	simm.s32 $0x4400;
	s10 =	sadd.s32 $0x3D2E00, s24  }
0x12: {  	[tilespmem:s11], [sflag:$0x1] =	stream.indirect.gather [hbm4b:s10+s8], $0x20, s6, s8, $0xb8;
	[tilespmem:$0x8400] =	vst v63  }
0x13: {  	s12 =	simm.s32 $0x1400  }
0x14: {  	[tilespmem:s12], [sflag:$0x1] =	stream.indirect.gather [hbm4b:s7+s8], $0x20, s8, s8, $0xb8;
	[tilespmem:$0x8400] =	vst v63  }
0x15: {  	s13 =	simm.s32 $0x280;
	s14 =	simm.s32 $0x5400  }
0x16: {  	[tilespmem:s14], [sflag:$0x1] =	stream.indirect.gather [hbm4b:s10+s8], $0x20, s13, s8, $0xb8;
	[tilespmem:$0x8400] =	vst v63  }
0x17: {  	s15 =	simm.s32 $0x100;
	s16 =	simm.s32 $0x2400  }
0x18: {  	[tilespmem:s16], [sflag:$0x1] =	stream.indirect.gather [hbm4b:s7+s8], $0x20, s15, s8, $0xb8;
	[tilespmem:$0x8400] =	vst v63  }
0x19: {  	s17 =	simm.s32 $0x300;
	s18 =	simm.s32 $0x6400  }
0x1a: {  	[tilespmem:s18], [sflag:$0x1] =	stream.indirect.gather [hbm4b:s10+s8], $0x20, s17, s8, $0xb8;
	[tilespmem:$0x8400] =	vst v63  }
0x1b: {  	s19 =	simm.s32 $0x180;
	s20 =	simm.s32 $0x3400  }
0x1c: {  	[tilespmem:s20], [sflag:$0x1] =	stream.indirect.gather [hbm4b:s7+s8], $0x20, s19, s8, $0xb8;
	[tilespmem:$0x8400] =	vst v63  }
0x1d: {  	s21 =	simm.s32 $0x380;
	s22 =	simm.s32 $0x7400;
	s23 =	simm.s32 $0x1  }
0x1e: {  	[tilespmem:s22], [sflag:$0x1] =	stream.indirect.gather [hbm4b:s10+s8], $0x20, s21, s8, $0xb8;
	[tilespmem:$0x8400] =	vst v63  }
0x1f: {  	_ =	swait.ge [sflag:s23], $0x1000  }
0x20: {  	[sflag:s23] =	ssyncset.done $0x0  }
0x21: {  	[sflag:s23] =	ssyncadd.s32 $0xFFFFF000  }
0x22: {  	_ =	swait.ge [sflag:s23], $0x1000  }
0x23: {  	[sflag:s23] =	ssyncset.done $0x0  }
0x24: {  	[sflag:s23] =	ssyncadd.s32 $0xFFFFF000  }
0x25: {  	_ =	swait.ge [sflag:s23], $0x1000  }
0x26: {  	[sflag:s23] =	ssyncset.done $0x0  }
0x27: {  	[sflag:s23] =	ssyncadd.s32 $0xFFFFF000  }
0x28: {  	_ =	swait.ge [sflag:s23], $0x1000  }
0x29: {  	[sflag:s23] =	ssyncset.done $0x0  }
0x2a: {  	[sflag:s23] =	ssyncadd.s32 $0xFFFFF000  }
0x2b: {  	_ =	swait.ge [sflag:s23], $0x1000  }
0x2c: {  	[sflag:s23] =	ssyncset.done $0x0  }
0x2d: {  	[sflag:s23] =	ssyncadd.s32 $0xFFFFF000  }
0x2e: {  	_ =	swait.ge [sflag:s23], $0x1000  }
0x2f: {  	[sflag:s23] =	ssyncset.done $0x0  }
0x30: {  	[sflag:s23] =	ssyncadd.s32 $0xFFFFF000  }
0x31: {  	_ =	swait.ge [sflag:s23], $0x1000  }
0x32: {  	[sflag:s23] =	ssyncset.done $0x0  }
0x33: {  	s25 =	ssub.s32 $0x2, s25;
	[sflag:s23] =	ssyncadd.s32 $0xFFFFF000  }
0x34: {  	s26 =	sshll.u32 s26, $0xB;
	s28 =	sshrl.u32 s25, $0x1;
	_ =	swait.ge [sflag:s23], $0x1000  }
0x35: {  	s26 =	sadd.s32 s26, s24;
	s28 =	ssub.s32 s25, s28;
	[sflag:s23] =	ssyncset.done $0x0  }
0x36: {  	s24 =	sadd.s32 $0x7B3800, s26;
	s31 =	smax.u32 s28, $0x1;
	[sflag:s23] =	ssyncadd.s32 $0xFFFFF000  }
0x37: {  	[hbm4b:s24+s2] =	stream.linear.scatter [tilespmem:s9], [sflag:$0x2], $0x4000, $0x38;
	[tilespmem:$0x8400] =	vst v63  }
0x38: {  	p0 =	sne.s32 s31, $0x1;
	_ =	swait.ge [sflag:s3], $0x4000  }
.Ltmp0:
0x39: {  	[sflag:s3] =	ssyncset.done $0x0;
	(pc) =	sbr.rel @!p0 .LBB2_2-.Ltmp0, $4  }
0x3a: {  	s25 =	sadd.s32 $0x7A3800, s26;
	[sflag:s3] =	ssyncadd.s32 $0xFFFFC000  }
0x3b: {  	[hbm4b:s25+s2] =	stream.linear.scatter [tilespmem:s11], [sflag:$0x2], $0x4000, $0x38;
	[tilespmem:$0x8400] =	vst v63  }
0x3c: {  	_ =	swait.ge [sflag:s3], $0x4000  }
0x3d: {  	s26 =	sadd.s32 $0xFFFFFFFF, s31;
	[sflag:s3] =	ssyncset.done $0x0  }
.LBB2_1:
0x3e: {  	p0 =	sne.s32 s26, $0x1;
	s26 =	sadd.s32 $0xFFFFFFFF, s26;
	[sflag:s3] =	ssyncadd.s32 $0xFFFFC000  }
0x3f: {  	[tilespmem:s2], [sflag:$0x2] =	stream.linear.gather [hbm4b:s4+s2], $0x200, $0x38;
	[tilespmem:$0x8400] =	vst v63  }
0x40: {  	_ =	swait.ge [sflag:s3], $0x200  }
0x41: {  	[sflag:s3] =	ssyncset.done $0x0  }
0x42: {  	[sflag:s3] =	ssyncadd.s32 $0xFFFFFE00  }
0x43: {  	[tilespmem:s6], [sflag:$0x2] =	stream.linear.gather [hbm4b:s5+s2], $0x200, $0x38;
	[tilespmem:$0x8400] =	vst v63  }
0x44: {  	_ =	swait.ge [sflag:s3], $0x200  }
0x45: {  	[sflag:s3] =	ssyncset.done $0x0  }
0x46: {  	[sflag:s3] =	ssyncadd.s32 $0xFFFFFE00  }
0x47: {  	[tilespmem:s9], [sflag:$0x1] =	stream.indirect.gather [hbm4b:s7+s8], $0x20, s2, s8, $0xb8;
	[tilespmem:$0x8400] =	vst v63  }
0x48: {  	_ = 	snop  }
0x49: {  	[tilespmem:s11], [sflag:$0x1] =	stream.indirect.gather [hbm4b:s10+s8], $0x20, s6, s8, $0xb8;
	[tilespmem:$0x8400] =	vst v63  }
0x4a: {  	_ = 	snop  }
0x4b: {  	[tilespmem:s12], [sflag:$0x1] =	stream.indirect.gather [hbm4b:s7+s8], $0x20, s8, s8, $0xb8;
	[tilespmem:$0x8400] =	vst v63  }
0x4c: {  	_ = 	snop  }
0x4d: {  	[tilespmem:s14], [sflag:$0x1] =	stream.indirect.gather [hbm4b:s10+s8], $0x20, s13, s8, $0xb8;
	[tilespmem:$0x8400] =	vst v63  }
0x4e: {  	_ = 	snop  }
0x4f: {  	[tilespmem:s16], [sflag:$0x1] =	stream.indirect.gather [hbm4b:s7+s8], $0x20, s15, s8, $0xb8;
	[tilespmem:$0x8400] =	vst v63  }
0x50: {  	_ = 	snop  }
0x51: {  	[tilespmem:s18], [sflag:$0x1] =	stream.indirect.gather [hbm4b:s10+s8], $0x20, s17, s8, $0xb8;
	[tilespmem:$0x8400] =	vst v63  }
0x52: {  	_ = 	snop  }
0x53: {  	[tilespmem:s20], [sflag:$0x1] =	stream.indirect.gather [hbm4b:s7+s8], $0x20, s19, s8, $0xb8;
	[tilespmem:$0x8400] =	vst v63  }
0x54: {  	_ = 	snop  }
0x55: {  	[tilespmem:s22], [sflag:$0x1] =	stream.indirect.gather [hbm4b:s10+s8], $0x20, s21, s8, $0xb8;
	[tilespmem:$0x8400] =	vst v63  }
0x56: {  	_ =	swait.ge [sflag:s23], $0x1000  }
0x57: {  	[sflag:s23] =	ssyncset.done $0x0  }
0x58: {  	[sflag:s23] =	ssyncadd.s32 $0xFFFFF000  }
0x59: {  	_ =	swait.ge [sflag:s23], $0x1000  }
0x5a: {  	[sflag:s23] =	ssyncset.done $0x0  }
0x5b: {  	[sflag:s23] =	ssyncadd.s32 $0xFFFFF000  }
0x5c: {  	_ =	swait.ge [sflag:s23], $0x1000  }
0x5d: {  	[sflag:s23] =	ssyncset.done $0x0  }
0x5e: {  	[sflag:s23] =	ssyncadd.s32 $0xFFFFF000  }
0x5f: {  	_ =	swait.ge [sflag:s23], $0x1000  }
0x60: {  	[sflag:s23] =	ssyncset.done $0x0  }
0x61: {  	[sflag:s23] =	ssyncadd.s32 $0xFFFFF000  }
0x62: {  	_ =	swait.ge [sflag:s23], $0x1000  }
0x63: {  	[sflag:s23] =	ssyncset.done $0x0  }
0x64: {  	[sflag:s23] =	ssyncadd.s32 $0xFFFFF000  }
0x65: {  	_ =	swait.ge [sflag:s23], $0x1000  }
0x66: {  	[sflag:s23] =	ssyncset.done $0x0  }
0x67: {  	[sflag:s23] =	ssyncadd.s32 $0xFFFFF000  }
0x68: {  	_ =	swait.ge [sflag:s23], $0x1000  }
0x69: {  	[sflag:s23] =	ssyncset.done $0x0  }
0x6a: {  	[sflag:s23] =	ssyncadd.s32 $0xFFFFF000  }
0x6b: {  	_ =	swait.ge [sflag:s23], $0x1000  }
0x6c: {  	[sflag:s23] =	ssyncset.done $0x0  }
0x6d: {  	[sflag:s23] =	ssyncadd.s32 $0xFFFFF000  }
0x6e: {  	[hbm4b:s24+s2] =	stream.linear.scatter [tilespmem:s9], [sflag:$0x2], $0x4000, $0x38;
	[tilespmem:$0x8400] =	vst v63  }
0x6f: {  	_ =	swait.ge [sflag:s3], $0x4000  }
.Ltmp1:
0x70: {  	[sflag:s3] =	ssyncset.done $0x0;
	(pc) =	sbr.rel @p0 .LBB2_1-.Ltmp1, $4  }
0x71: {  	[sflag:s3] =	ssyncadd.s32 $0xFFFFC000  }
0x72: {  	[hbm4b:s25+s2] =	stream.linear.scatter [tilespmem:s11], [sflag:$0x2], $0x4000, $0x38;
	[tilespmem:$0x8400] =	vst v63  }
0x73: {  	_ =	swait.ge [sflag:s3], $0x4000  }
0x74: {  	[sflag:s3] =	ssyncset.done $0x0  }
.LBB2_2:
0x75: {  	[sflag:s3] =	ssyncadd.s32 $0xFFFFC000  }
0x76: {  	_ =	sfence.sel $0x180000  }
0x77: {  	[bflag:$0x0] =	sbarrier.arrive $0xFFFF  }
0x78: {  	p0 =	sne.s32 s0, $0x0;
	_ =	strace $0x9000004A  }
0x79: {  	s0 =	sadd.s32 @!p0 $0x100000, s1;
	[bflag:$0x2] =	sbarrier.arrive $0xFFFF  }
0x7a: {  	[sflag:s0] =	ssyncadd.tile.s32 @!p0 $0x1;
	_ =	shalt  }
.Lfunc_end2:
_tile_overlayer_lowered:
.L_overlay_start_2:
0x7b: {  	(tag) =	ssettag $0x2  }
0x7c: {  	s0 =	rddreg [dreg:$0x0];
	s2 =	stileid.u32  }
0x7d: {  	s1 =	rddreg [dreg:$0x1];
	p0 =	sne.s32 s2, $0x0  }
0x7e: {  	s3 =	rddreg [dreg:$0x2];
	[bflag:$0x3] =	sbarrier.arrive $0xFFFF;
	s2 =	simm.s32 @!p0 $0x1C02  }
0x7f: {  	[timem:s3], [sflag:s2] =	dma.local @!p0 [hbm:s0], s1  }
0x80: {  	s0 =	simm.s32 @!p0 $0x2  }
0x81: {  	_ =	swait.ge @!p0 [sflag:s0], s1  }
0x82: {  	s1 =	ssub.s32 @!p0 $0x0, s1;
	[sflag:s0] =	ssyncset.done @!p0 $0x0  }
0x83: {  	[sflag:s0] =	ssyncadd.s32 @!p0 s1  }
0x84: {  	[bflag:$0x3] =	sbarrier.arrive $0xFFFF  }
0x85: {  	_ =	shalt  }

</sc_bundles>
